<compile_context>
chip_gen: v7x
topology: tpu7x:2x2x1
jax: 0.10.2.dev20260603
libtpu: 0.0.44.dev20260713+nightly
codegen_flags: <defaults>
</compile_context>

<pallas_src>
import functools

import jax
import jax.numpy as jnp
from jax import lax
from jax.experimental import pallas as pl
from jax.experimental.pallas import tpu as pltpu
from jax.experimental.pallas import tpu_sc as plsc

N = 10000
E = 320000
D = 128
DH = D // 2
BN_EPS = 1e-5

NC = 2
NS = 16
EPW = E // NS
CHUNK = 125
NCHUNK = EPW // CHUNK
NP = 10240
RPS = NP // NS
L = 16



@functools.partial(
    pl.kernel,
    mesh=plsc.VectorSubcoreMesh(core_axis_name="c", subcore_axis_name="s"),
    out_type=jax.ShapeDtypeStruct((NP, D), jnp.float32),
    scratch_types=[
        pltpu.VMEM((NCHUNK, CHUNK), jnp.int32),
        pltpu.VMEM((NCHUNK, CHUNK), jnp.int32),
        *([pltpu.VMEM((CHUNK, DH), jnp.float32)] * 5),
        pltpu.VMEM_SHARED((NP, DH), jnp.float32),
        *([pltpu.SemaphoreType.DMA] * 5),
    ],
    compiler_params=pltpu.CompilerParams(use_tc_tiling_on_sc=False),
)
def _agg_kernel(xh_hbm, src_hbm, dst_hbm, zero_hbm, out_hbm,
                idx_v, dst_v, *rest):
    rows = rest[:5]
    acc_sh = rest[5]
    sems = rest[6:11]
    cid = lax.axis_index("c")
    sid = lax.axis_index("s")

    r0 = sid * RPS
    pltpu.sync_copy(zero_hbm.at[pl.ds(r0, RPS)], acc_sh.at[pl.ds(r0, RPS)])

    pltpu.sync_copy(src_hbm.at[cid * NS + sid], idx_v)
    pltpu.sync_copy(dst_hbm.at[sid], dst_v)

    plsc.subcore_barrier()

    NBUF = 5
    bufs = tuple(zip(rows, sems))
    for j, (rb, sb) in enumerate(bufs):
        pltpu.async_copy(xh_hbm.at[idx_v.at[j]], rb, sb)

    def body(i, carry):
        g = NBUF * i
        for j, (rb, sb) in enumerate(bufs):
            pltpu.make_async_copy(xh_hbm.at[idx_v.at[g + j]], rb, sb).wait()
            pltpu.sync_copy(rb, acc_sh.at[dst_v.at[g + j]], add=True)

            @pl.when(g + j + NBUF < NCHUNK)
            def _(rb=rb, sb=sb):
                pltpu.async_copy(xh_hbm.at[idx_v.at[g + j + NBUF]], rb, sb)

        return carry

    lax.fori_loop(0, NCHUNK // NBUF, body, 0)

    plsc.subcore_barrier()

    pltpu.sync_copy(acc_sh.at[pl.ds(r0, RPS)],
                    out_hbm.at[pl.ds(r0, RPS), pl.ds(cid * DH, DH)])



def _mlp_body(x_ref, agg_ref, epsa_ref,
              W1_ref, b1_ref, g1_ref, be1_ref,
              W2_ref, b2_ref, g2_ref, be2_ref, out_ref):
    h = (1.0 + epsa_ref[0]) * x_ref[...] + agg_ref[:N]

    h = lax.dot_general(h, W1_ref[...], (((1,), (1,)), ((), ())),
                        preferred_element_type=jnp.float32) + b1_ref[...]
    m = jnp.mean(h, axis=0, keepdims=True)
    v = jnp.mean((h - m) ** 2, axis=0, keepdims=True)
    h = (h - m) * lax.rsqrt(v + BN_EPS)
    h = g1_ref[...] * h + be1_ref[...]
    h = jnp.where(h >= 0.0, h, epsa_ref[1] * h)

    h = lax.dot_general(h, W2_ref[...], (((1,), (1,)), ((), ())),
                        preferred_element_type=jnp.float32) + b2_ref[...]
    m = jnp.mean(h, axis=0, keepdims=True)
    v = jnp.mean((h - m) ** 2, axis=0, keepdims=True)
    h = (h - m) * lax.rsqrt(v + BN_EPS)
    h = g2_ref[...] * h + be2_ref[...]
    out_ref[...] = jnp.where(h >= 0.0, h, epsa_ref[2] * h)


def _mlp_call(x, agg, epsa, W1, b1, g1, be1, W2, b2, g2, be2):
    return pl.pallas_call(
        _mlp_body,
        out_shape=jax.ShapeDtypeStruct((N, D), jnp.float32),
        in_specs=[
            pl.BlockSpec(memory_space=pltpu.VMEM),
            pl.BlockSpec(memory_space=pltpu.VMEM),
            pl.BlockSpec(memory_space=pltpu.SMEM),
            pl.BlockSpec(memory_space=pltpu.VMEM),
            pl.BlockSpec(memory_space=pltpu.VMEM),
            pl.BlockSpec(memory_space=pltpu.VMEM),
            pl.BlockSpec(memory_space=pltpu.VMEM),
            pl.BlockSpec(memory_space=pltpu.VMEM),
            pl.BlockSpec(memory_space=pltpu.VMEM),
            pl.BlockSpec(memory_space=pltpu.VMEM),
            pl.BlockSpec(memory_space=pltpu.VMEM),
        ],
        out_specs=pl.BlockSpec(memory_space=pltpu.VMEM),
    )(x, agg, epsa, W1, b1, g1, be1, W2, b2, g2, be2)



def kernel(x, edge_index, eps, W1, b1, g1, be1, a1, W2, b2, g2, be2, a2):
    src = edge_index[0].astype(jnp.int32)
    idx2 = jnp.stack([2 * src, 2 * src + 1])
    idx2, dst = jax.lax.optimization_barrier(
        (idx2, edge_index[1].astype(jnp.int32)))
    src2 = idx2.reshape(NC * NS, NCHUNK, CHUNK)
    dst_r = dst.reshape(NS, NCHUNK, CHUNK)
    xh = x.reshape(2 * N, DH)
    zeros = jnp.zeros((NP, DH), jnp.float32)

    agg = _agg_kernel(xh, src2, dst_r, zeros)

    epsa = jnp.stack([eps, a1, a2])
    row = lambda t: jnp.reshape(t, (1, D))
    return _mlp_call(x, agg, epsa, W1, row(b1), row(g1), row(be1),
                     W2, row(b2), row(g2), row(be2))

# --- scband reference (transcript-rebuilt; emitter-appended) ---
"""Pipeline reference for scband-ginblock-7584912244764 (READ-ONLY COPY).

The authoritative reference and input builder live on the scoring server;
editing this copy changes nothing except your own understanding.
"""

import jax, jax.numpy as jnp
import numpy as np

N = 10000
E = 320000
D_IN = 128
D_OUT = 128
BN_EPS = 1e-5


def setup_inputs(seed: int = 0) -> dict:
    key = jax.random.key(seed)
    ks = jax.random.split(key, 12)
    x = jax.random.normal(ks[0], (N, D_IN), dtype=jnp.float32)
    edge_index = jax.random.randint(ks[1], (2, E), 0, N, dtype=jnp.int64)
    s1 = 1.0 / np.sqrt(D_IN)
    s2 = 1.0 / np.sqrt(D_OUT)
    W1 = jax.random.uniform(ks[2], (D_OUT, D_IN), dtype=jnp.float32, minval=-s1, maxval=s1)
    b1 = jax.random.uniform(ks[3], (D_OUT,), dtype=jnp.float32, minval=-s1, maxval=s1)
    g1 = jnp.ones((D_OUT,), dtype=jnp.float32)
    be1 = jnp.zeros((D_OUT,), dtype=jnp.float32)
    a1 = jnp.array(0.25, dtype=jnp.float32)
    W2 = jax.random.uniform(ks[4], (D_OUT, D_OUT), dtype=jnp.float32, minval=-s2, maxval=s2)
    b2 = jax.random.uniform(ks[5], (D_OUT,), dtype=jnp.float32, minval=-s2, maxval=s2)
    g2 = jnp.ones((D_OUT,), dtype=jnp.float32)
    be2 = jnp.zeros((D_OUT,), dtype=jnp.float32)
    a2 = jnp.array(0.25, dtype=jnp.float32)
    eps = jnp.array(0.0, dtype=jnp.float32)  # GINConv train_eps=True, init 0
    return {"x": x, "edge_index": edge_index, "eps": eps,
            "W1": W1, "b1": b1, "g1": g1, "be1": be1, "a1": a1,
            "W2": W2, "b2": b2, "g2": g2, "be2": be2, "a2": a2}


def _bn_train(h, gamma, beta):
    m = jnp.mean(h, axis=0)
    v = jnp.mean((h - m) ** 2, axis=0)  # biased var, torch BN training mode
    hn = (h - m) / jnp.sqrt(v + BN_EPS)
    return gamma * hn + beta


def _prelu(h, a):
    return jnp.where(h >= 0, h, a * h)


def reference(x, edge_index, eps, W1, b1, g1, be1, a1, W2, b2, g2, be2, a2):
    src = edge_index[0]
    dst = edge_index[1]
    # GIN aggregation: sum of neighbor features scattered to destination nodes
    agg = jax.ops.segment_sum(jnp.take(x, src, axis=0), dst, num_segments=x.shape[0])
    h = (1.0 + eps) * x + agg
    # MLP: Linear -> BatchNorm1d -> PReLU -> Linear -> BatchNorm1d -> PReLU
    h = h @ W1.T + b1
    h = _bn_train(h, g1, be1)
    h = _prelu(h, a1)
    h = h @ W2.T + b2
    h = _bn_train(h, g2, be2)
    h = _prelu(h, a2)
    return h

if __name__ == "__main__":
    import jax
    _d = setup_inputs()
    print(jax.jit(kernel)(*tuple(_d.values())))

</pallas_src>

<mosaic_0001>
#map = affine_map<(d0, d1) -> (0, 0)>
#map1 = affine_map<(d0, d1) -> (0, 0, 0)>
module attributes {stable_mosaic.version = 14 : i64} {
  func.func @_agg_kernel(%arg0: i32, %arg1: i32, %arg2: memref<20000x64xf32, #tpu.memory_space<hbm>>, %arg3: memref<32x160x125xi32, #tpu.memory_space<hbm>>, %arg4: memref<16x160x125xi32, #tpu.memory_space<hbm>>, %arg5: memref<10240x64xf32, #tpu.memory_space<hbm>>, %arg6: memref<10240x128xf32, #tpu.memory_space<hbm>>, %arg7: memref<160x125xi32, #tpu.memory_space<vmem>>, %arg8: memref<160x125xi32, #tpu.memory_space<vmem>>, %arg9: memref<125x64xf32, #tpu.memory_space<vmem>>, %arg10: memref<125x64xf32, #tpu.memory_space<vmem>>, %arg11: memref<125x64xf32, #tpu.memory_space<vmem>>, %arg12: memref<125x64xf32, #tpu.memory_space<vmem>>, %arg13: memref<125x64xf32, #tpu.memory_space<vmem>>, %arg14: memref<10240x64xf32, #tpu.memory_space<vmem_shared>>, %arg15: memref<!tpu.dma_semaphore, #tpu.memory_space<semaphore_mem>>, %arg16: memref<!tpu.dma_semaphore, #tpu.memory_space<semaphore_mem>>, %arg17: memref<!tpu.dma_semaphore, #tpu.memory_space<semaphore_mem>>, %arg18: memref<!tpu.dma_semaphore, #tpu.memory_space<semaphore_mem>>, %arg19: memref<!tpu.dma_semaphore, #tpu.memory_space<semaphore_mem>>) attributes {dimension_semantics = [#tpu.dimension_semantics<core_parallel>, #tpu.dimension_semantics<subcore_parallel>], iteration_bounds = array<i64: 2, 16>, scalar_prefetch = 0 : i64, scratch_operands = 13 : i64, tpu.core_type = #tpu.core_type<sc_vector_subcore>, window_params = [{transform_indices = #map}, {transform_indices = #map1}, {transform_indices = #map1}, {transform_indices = #map}, {transform_indices = #map}]} {
    %mul3A = arith.constant 640 : i32
    %mul3A_0 = arith.muli %arg1, %mul3A : i32
    "tpu.region"() ({
      %run_scoped3A = tpu.sem_alloc : memref<!tpu.dma_semaphore, #tpu.memory_space<semaphore_mem>>
      %dma_start3A_45 = arith.constant 0 : i32
      %dma_start3A_46 = tpu.memref_slice %arg14[%mul3A_0, %dma_start3A_45] : memref<10240x64xf32, #tpu.memory_space<vmem_shared>> -> memref<640x64xf32, #tpu.memory_space<vmem_shared>>
      %dma_start3A_47 = arith.constant 0 : i32
      %dma_start3A_48 = tpu.memref_slice %arg5[%mul3A_0, %dma_start3A_47] : memref<10240x64xf32, #tpu.memory_space<hbm>> -> memref<640x64xf32, #tpu.memory_space<hbm>>
      tpu.enqueue_dma source(%dma_start3A_48 : memref<640x64xf32, #tpu.memory_space<hbm>>) target(%dma_start3A_46 : memref<640x64xf32, #tpu.memory_space<vmem_shared>>) target_semaphore(%run_scoped3A : memref<!tpu.dma_semaphore, #tpu.memory_space<semaphore_mem>>)
      %dma_wait3A = arith.constant 0 : i32
      %dma_wait3A_49 = tpu.memref_slice %arg14[%mul3A_0, %dma_wait3A] : memref<10240x64xf32, #tpu.memory_space<vmem_shared>> -> memref<640x64xf32, #tpu.memory_space<vmem_shared>>
      %dma_wait3A_50 = arith.constant 0 : i32
      %dma_wait3A_51 = tpu.memref_slice %arg5[%mul3A_0, %dma_wait3A_50] : memref<10240x64xf32, #tpu.memory_space<hbm>> -> memref<640x64xf32, #tpu.memory_space<hbm>>
      tpu.wait_dma2 semaphore(%run_scoped3A : memref<!tpu.dma_semaphore, #tpu.memory_space<semaphore_mem>>) src(%dma_wait3A_51 : memref<640x64xf32, #tpu.memory_space<hbm>>) dst(%dma_wait3A_49 : memref<640x64xf32, #tpu.memory_space<vmem_shared>>)
      tpu.yield
    }) : () -> ()
    %mul3A_1 = arith.constant 16 : i32
    %mul3A_2 = arith.muli %arg0, %mul3A_1 : i32
    %add3A = arith.addi %mul3A_2, %arg1 : i32
    "tpu.region"() ({
      %run_scoped3A = tpu.sem_alloc : memref<!tpu.dma_semaphore, #tpu.memory_space<semaphore_mem>>
      %dma_start3A_45 = arith.constant 0 : i32
      %dma_start3A_46 = arith.constant 0 : i32
      %dma_start3A_47 = tpu.memref_slice %arg3[%add3A, %dma_start3A_45, %dma_start3A_46] : memref<32x160x125xi32, #tpu.memory_space<hbm>> -> memref<1x160x125xi32, #tpu.memory_space<hbm>>
      %dma_start3A_48 = tpu.memref_squeeze %dma_start3A_47 : memref<1x160x125xi32, #tpu.memory_space<hbm>> -> memref<160x125xi32, #tpu.memory_space<hbm>>
      %dma_start3A_49 = arith.constant 0 : i32
      %dma_start3A_50 = arith.constant 0 : i32
      %dma_start3A_51 = tpu.memref_slice %arg3[%add3A, %dma_start3A_49, %dma_start3A_50] : memref<32x160x125xi32, #tpu.memory_space<hbm>> -> memref<1x160x125xi32, #tpu.memory_space<hbm>>
      %dma_start3A_52 = tpu.memref_squeeze %dma_start3A_51 : memref<1x160x125xi32, #tpu.memory_space<hbm>> -> memref<160x125xi32, #tpu.memory_space<hbm>>
      tpu.enqueue_dma source(%dma_start3A_52 : memref<160x125xi32, #tpu.memory_space<hbm>>) target(%arg7 : memref<160x125xi32, #tpu.memory_space<vmem>>) target_semaphore(%run_scoped3A : memref<!tpu.dma_semaphore, #tpu.memory_space<semaphore_mem>>)
      %dma_wait3A = arith.constant 0 : i32
      %dma_wait3A_53 = arith.constant 0 : i32
      %dma_wait3A_54 = tpu.memref_slice %arg3[%add3A, %dma_wait3A, %dma_wait3A_53] : memref<32x160x125xi32, #tpu.memory_space<hbm>> -> memref<1x160x125xi32, #tpu.memory_space<hbm>>
      %dma_wait3A_55 = tpu.memref_squeeze %dma_wait3A_54 : memref<1x160x125xi32, #tpu.memory_space<hbm>> -> memref<160x125xi32, #tpu.memory_space<hbm>>
      %dma_wait3A_56 = arith.constant 0 : i32
      %dma_wait3A_57 = arith.constant 0 : i32
      %dma_wait3A_58 = tpu.memref_slice %arg3[%add3A, %dma_wait3A_56, %dma_wait3A_57] : memref<32x160x125xi32, #tpu.memory_space<hbm>> -> memref<1x160x125xi32, #tpu.memory_space<hbm>>
      %dma_wait3A_59 = tpu.memref_squeeze %dma_wait3A_58 : memref<1x160x125xi32, #tpu.memory_space<hbm>> -> memref<160x125xi32, #tpu.memory_space<hbm>>
      tpu.wait_dma2 semaphore(%run_scoped3A : memref<!tpu.dma_semaphore, #tpu.memory_space<semaphore_mem>>) src(%dma_wait3A_59 : memref<160x125xi32, #tpu.memory_space<hbm>>) dst(%arg7 : memref<160x125xi32, #tpu.memory_space<vmem>>)
      tpu.yield
    }) : () -> ()
    "tpu.region"() ({
      %run_scoped3A = tpu.sem_alloc : memref<!tpu.dma_semaphore, #tpu.memory_space<semaphore_mem>>
      %dma_start3A_45 = arith.constant 0 : i32
      %dma_start3A_46 = arith.constant 0 : i32
      %dma_start3A_47 = tpu.memref_slice %arg4[%arg1, %dma_start3A_45, %dma_start3A_46] : memref<16x160x125xi32, #tpu.memory_space<hbm>> -> memref<1x160x125xi32, #tpu.memory_space<hbm>>
      %dma_start3A_48 = tpu.memref_squeeze %dma_start3A_47 : memref<1x160x125xi32, #tpu.memory_space<hbm>> -> memref<160x125xi32, #tpu.memory_space<hbm>>
      %dma_start3A_49 = arith.constant 0 : i32
      %dma_start3A_50 = arith.constant 0 : i32
      %dma_start3A_51 = tpu.memref_slice %arg4[%arg1, %dma_start3A_49, %dma_start3A_50] : memref<16x160x125xi32, #tpu.memory_space<hbm>> -> memref<1x160x125xi32, #tpu.memory_space<hbm>>
      %dma_start3A_52 = tpu.memref_squeeze %dma_start3A_51 : memref<1x160x125xi32, #tpu.memory_space<hbm>> -> memref<160x125xi32, #tpu.memory_space<hbm>>
      tpu.enqueue_dma source(%dma_start3A_52 : memref<160x125xi32, #tpu.memory_space<hbm>>) target(%arg8 : memref<160x125xi32, #tpu.memory_space<vmem>>) target_semaphore(%run_scoped3A : memref<!tpu.dma_semaphore, #tpu.memory_space<semaphore_mem>>)
      %dma_wait3A = arith.constant 0 : i32
      %dma_wait3A_53 = arith.constant 0 : i32
      %dma_wait3A_54 = tpu.memref_slice %arg4[%arg1, %dma_wait3A, %dma_wait3A_53] : memref<16x160x125xi32, #tpu.memory_space<hbm>> -> memref<1x160x125xi32, #tpu.memory_space<hbm>>
      %dma_wait3A_55 = tpu.memref_squeeze %dma_wait3A_54 : memref<1x160x125xi32, #tpu.memory_space<hbm>> -> memref<160x125xi32, #tpu.memory_space<hbm>>
      %dma_wait3A_56 = arith.constant 0 : i32
      %dma_wait3A_57 = arith.constant 0 : i32
      %dma_wait3A_58 = tpu.memref_slice %arg4[%arg1, %dma_wait3A_56, %dma_wait3A_57] : memref<16x160x125xi32, #tpu.memory_space<hbm>> -> memref<1x160x125xi32, #tpu.memory_space<hbm>>
      %dma_wait3A_59 = tpu.memref_squeeze %dma_wait3A_58 : memref<1x160x125xi32, #tpu.memory_space<hbm>> -> memref<160x125xi32, #tpu.memory_space<hbm>>
      tpu.wait_dma2 semaphore(%run_scoped3A : memref<!tpu.dma_semaphore, #tpu.memory_space<semaphore_mem>>) src(%dma_wait3A_59 : memref<160x125xi32, #tpu.memory_space<hbm>>) dst(%arg8 : memref<160x125xi32, #tpu.memory_space<vmem>>)
      tpu.yield
    }) : () -> ()
    %barrier3A = arith.constant 0 : index
    tpu.barrier barrier_id(%barrier3A)
    %dma_start3A = arith.constant 0 : i32
    %dma_start3A_3 = arith.constant 0 : i32
    %dma_start3A_4 = tpu.memref_slice %arg7[%dma_start3A, %dma_start3A_3] : memref<160x125xi32, #tpu.memory_space<vmem>> -> memref<1x125xi32, #tpu.memory_space<vmem>>
    %dma_start3A_5 = tpu.memref_squeeze %dma_start3A_4 : memref<1x125xi32, #tpu.memory_space<vmem>> -> memref<125xi32, #tpu.memory_space<vmem>>
    %dma_start3A_6 = arith.constant 0 : i32
    %dma_start3A_7 = arith.constant 0 : i32
    %dma_start3A_8 = tpu.memref_slice %arg2[%dma_start3A_6, %dma_start3A_7] : memref<20000x64xf32, #tpu.memory_space<hbm>> -> memref<20000x64xf32, #tpu.memory_space<hbm>>
    tpu.enqueue_indirect_dma source(%dma_start3A_8 : memref<20000x64xf32, #tpu.memory_space<hbm>>) target(%arg9 : memref<125x64xf32, #tpu.memory_space<vmem>>) offsets(%dma_start3A_5 : memref<125xi32, #tpu.memory_space<vmem>>) semaphore(%arg15 : memref<!tpu.dma_semaphore, #tpu.memory_space<semaphore_mem>>)
    %dma_start3A_9 = arith.constant 1 : i32
    %dma_start3A_10 = arith.constant 0 : i32
    %dma_start3A_11 = tpu.memref_slice %arg7[%dma_start3A_9, %dma_start3A_10] : memref<160x125xi32, #tpu.memory_space<vmem>> -> memref<1x125xi32, #tpu.memory_space<vmem>>
    %dma_start3A_12 = tpu.memref_squeeze %dma_start3A_11 : memref<1x125xi32, #tpu.memory_space<vmem>> -> memref<125xi32, #tpu.memory_space<vmem>>
    %dma_start3A_13 = arith.constant 0 : i32
    %dma_start3A_14 = arith.constant 0 : i32
    %dma_start3A_15 = tpu.memref_slice %arg2[%dma_start3A_13, %dma_start3A_14] : memref<20000x64xf32, #tpu.memory_space<hbm>> -> memref<20000x64xf32, #tpu.memory_space<hbm>>
    tpu.enqueue_indirect_dma source(%dma_start3A_15 : memref<20000x64xf32, #tpu.memory_space<hbm>>) target(%arg10 : memref<125x64xf32, #tpu.memory_space<vmem>>) offsets(%dma_start3A_12 : memref<125xi32, #tpu.memory_space<vmem>>) semaphore(%arg16 : memref<!tpu.dma_semaphore, #tpu.memory_space<semaphore_mem>>)
    %dma_start3A_16 = arith.constant 2 : i32
    %dma_start3A_17 = arith.constant 0 : i32
    %dma_start3A_18 = tpu.memref_slice %arg7[%dma_start3A_16, %dma_start3A_17] : memref<160x125xi32, #tpu.memory_space<vmem>> -> memref<1x125xi32, #tpu.memory_space<vmem>>
    %dma_start3A_19 = tpu.memref_squeeze %dma_start3A_18 : memref<1x125xi32, #tpu.memory_space<vmem>> -> memref<125xi32, #tpu.memory_space<vmem>>
    %dma_start3A_20 = arith.constant 0 : i32
    %dma_start3A_21 = arith.constant 0 : i32
    %dma_start3A_22 = tpu.memref_slice %arg2[%dma_start3A_20, %dma_start3A_21] : memref<20000x64xf32, #tpu.memory_space<hbm>> -> memref<20000x64xf32, #tpu.memory_space<hbm>>
    tpu.enqueue_indirect_dma source(%dma_start3A_22 : memref<20000x64xf32, #tpu.memory_space<hbm>>) target(%arg11 : memref<125x64xf32, #tpu.memory_space<vmem>>) offsets(%dma_start3A_19 : memref<125xi32, #tpu.memory_space<vmem>>) semaphore(%arg17 : memref<!tpu.dma_semaphore, #tpu.memory_space<semaphore_mem>>)
    %dma_start3A_23 = arith.constant 3 : i32
    %dma_start3A_24 = arith.constant 0 : i32
    %dma_start3A_25 = tpu.memref_slice %arg7[%dma_start3A_23, %dma_start3A_24] : memref<160x125xi32, #tpu.memory_space<vmem>> -> memref<1x125xi32, #tpu.memory_space<vmem>>
    %dma_start3A_26 = tpu.memref_squeeze %dma_start3A_25 : memref<1x125xi32, #tpu.memory_space<vmem>> -> memref<125xi32, #tpu.memory_space<vmem>>
    %dma_start3A_27 = arith.constant 0 : i32
    %dma_start3A_28 = arith.constant 0 : i32
    %dma_start3A_29 = tpu.memref_slice %arg2[%dma_start3A_27, %dma_start3A_28] : memref<20000x64xf32, #tpu.memory_space<hbm>> -> memref<20000x64xf32, #tpu.memory_space<hbm>>
    tpu.enqueue_indirect_dma source(%dma_start3A_29 : memref<20000x64xf32, #tpu.memory_space<hbm>>) target(%arg12 : memref<125x64xf32, #tpu.memory_space<vmem>>) offsets(%dma_start3A_26 : memref<125xi32, #tpu.memory_space<vmem>>) semaphore(%arg18 : memref<!tpu.dma_semaphore, #tpu.memory_space<semaphore_mem>>)
    %dma_start3A_30 = arith.constant 4 : i32
    %dma_start3A_31 = arith.constant 0 : i32
    %dma_start3A_32 = tpu.memref_slice %arg7[%dma_start3A_30, %dma_start3A_31] : memref<160x125xi32, #tpu.memory_space<vmem>> -> memref<1x125xi32, #tpu.memory_space<vmem>>
    %dma_start3A_33 = tpu.memref_squeeze %dma_start3A_32 : memref<1x125xi32, #tpu.memory_space<vmem>> -> memref<125xi32, #tpu.memory_space<vmem>>
    %dma_start3A_34 = arith.constant 0 : i32
    %dma_start3A_35 = arith.constant 0 : i32
    %dma_start3A_36 = tpu.memref_slice %arg2[%dma_start3A_34, %dma_start3A_35] : memref<20000x64xf32, #tpu.memory_space<hbm>> -> memref<20000x64xf32, #tpu.memory_space<hbm>>
    tpu.enqueue_indirect_dma source(%dma_start3A_36 : memref<20000x64xf32, #tpu.memory_space<hbm>>) target(%arg13 : memref<125x64xf32, #tpu.memory_space<vmem>>) offsets(%dma_start3A_33 : memref<125xi32, #tpu.memory_space<vmem>>) semaphore(%arg19 : memref<!tpu.dma_semaphore, #tpu.memory_space<semaphore_mem>>)
    %scan3A = arith.constant 0 : i32
    %scan3A_37 = arith.constant 0 : i32
    %scan3A_38 = arith.constant 32 : i32
    %scan3A_39 = arith.addi %scan3A_37, %scan3A_38 : i32
    %scan3A_40 = arith.constant 1 : i32
    scf.for %scan3A_45 = %scan3A_37 to %scan3A_39 step %scan3A_40  : i32 {
      %mul3A_46 = arith.constant 5 : i32
      %mul3A_47 = arith.muli %mul3A_46, %scan3A_45 : i32
      %add3A_48 = arith.constant 0 : i32
      %add3A_49 = arith.addi %mul3A_47, %add3A_48 : i32
      %dma_wait3A = arith.constant 0 : i32
      %dma_wait3A_50 = tpu.memref_slice %arg7[%add3A_49, %dma_wait3A] : memref<160x125xi32, #tpu.memory_space<vmem>> -> memref<1x125xi32, #tpu.memory_space<vmem>>
      %dma_wait3A_51 = tpu.memref_squeeze %dma_wait3A_50 : memref<1x125xi32, #tpu.memory_space<vmem>> -> memref<125xi32, #tpu.memory_space<vmem>>
      %dma_wait3A_52 = arith.constant 0 : i32
      %dma_wait3A_53 = arith.constant 0 : i32
      %dma_wait3A_54 = tpu.memref_slice %arg2[%dma_wait3A_52, %dma_wait3A_53] : memref<20000x64xf32, #tpu.memory_space<hbm>> -> memref<20000x64xf32, #tpu.memory_space<hbm>>
      tpu.wait_indirect_dma semaphore(%arg15 : memref<!tpu.dma_semaphore, #tpu.memory_space<semaphore_mem>>) src(%dma_wait3A_54 : memref<20000x64xf32, #tpu.memory_space<hbm>>) dst(%arg9 : memref<125x64xf32, #tpu.memory_space<vmem>>)
      %add3A_55 = arith.constant 0 : i32
      %add3A_56 = arith.addi %mul3A_47, %add3A_55 : i32
      "tpu.region"() ({
        %run_scoped3A = tpu.sem_alloc : memref<!tpu.dma_semaphore, #tpu.memory_space<semaphore_mem>>
        %dma_start3A_139 = arith.constant 0 : i32
        %dma_start3A_140 = tpu.memref_slice %arg8[%add3A_56, %dma_start3A_139] : memref<160x125xi32, #tpu.memory_space<vmem>> -> memref<1x125xi32, #tpu.memory_space<vmem>>
        %dma_start3A_141 = tpu.memref_squeeze %dma_start3A_140 : memref<1x125xi32, #tpu.memory_space<vmem>> -> memref<125xi32, #tpu.memory_space<vmem>>
        %dma_start3A_142 = arith.constant 0 : i32
        %dma_start3A_143 = arith.constant 0 : i32
        %dma_start3A_144 = tpu.memref_slice %arg14[%dma_start3A_142, %dma_start3A_143] : memref<10240x64xf32, #tpu.memory_space<vmem_shared>> -> memref<10240x64xf32, #tpu.memory_space<vmem_shared>>
        tpu.enqueue_indirect_dma source(%arg9 : memref<125x64xf32, #tpu.memory_space<vmem>>) target(%dma_start3A_144 : memref<10240x64xf32, #tpu.memory_space<vmem_shared>>) offsets(%dma_start3A_141 : memref<125xi32, #tpu.memory_space<vmem>>) semaphore(%run_scoped3A : memref<!tpu.dma_semaphore, #tpu.memory_space<semaphore_mem>>) {add = true}
        %dma_wait3A_145 = arith.constant 0 : i32
        %dma_wait3A_146 = tpu.memref_slice %arg8[%add3A_56, %dma_wait3A_145] : memref<160x125xi32, #tpu.memory_space<vmem>> -> memref<1x125xi32, #tpu.memory_space<vmem>>
        %dma_wait3A_147 = tpu.memref_squeeze %dma_wait3A_146 : memref<1x125xi32, #tpu.memory_space<vmem>> -> memref<125xi32, #tpu.memory_space<vmem>>
        %dma_wait3A_148 = arith.constant 0 : i32
        %dma_wait3A_149 = arith.constant 0 : i32
        %dma_wait3A_150 = tpu.memref_slice %arg14[%dma_wait3A_148, %dma_wait3A_149] : memref<10240x64xf32, #tpu.memory_space<vmem_shared>> -> memref<10240x64xf32, #tpu.memory_space<vmem_shared>>
        tpu.wait_indirect_dma semaphore(%run_scoped3A : memref<!tpu.dma_semaphore, #tpu.memory_space<semaphore_mem>>) src(%arg9 : memref<125x64xf32, #tpu.memory_space<vmem>>) dst(%dma_wait3A_150 : memref<10240x64xf32, #tpu.memory_space<vmem_shared>>)
        tpu.yield
      }) : () -> ()
      %add3A_57 = arith.constant 0 : i32
      %add3A_58 = arith.addi %mul3A_47, %add3A_57 : i32
      %add3A_59 = arith.constant 5 : i32
      %add3A_60 = arith.addi %add3A_58, %add3A_59 : i32
      %lt3A = arith.constant 160 : i32
      %lt3A_61 = arith.cmpi slt, %add3A_60, %lt3A : i32
      %convert_element_type3A = arith.extui %lt3A_61 : i1 to i32
      %cond3A = arith.constant 0 : i32
      %cond3A_62 = arith.cmpi ne, %convert_element_type3A, %cond3A : i32
      scf.if %cond3A_62 {
        %add3A_139 = arith.constant 0 : i32
        %add3A_140 = arith.addi %mul3A_47, %add3A_139 : i32
        %add3A_141 = arith.constant 5 : i32
        %add3A_142 = arith.addi %add3A_140, %add3A_141 : i32
        %dma_start3A_143 = arith.constant 0 : i32
        %dma_start3A_144 = tpu.memref_slice %arg7[%add3A_142, %dma_start3A_143] : memref<160x125xi32, #tpu.memory_space<vmem>> -> memref<1x125xi32, #tpu.memory_space<vmem>>
        %dma_start3A_145 = tpu.memref_squeeze %dma_start3A_144 : memref<1x125xi32, #tpu.memory_space<vmem>> -> memref<125xi32, #tpu.memory_space<vmem>>
        %dma_start3A_146 = arith.constant 0 : i32
        %dma_start3A_147 = arith.constant 0 : i32
        %dma_start3A_148 = tpu.memref_slice %arg2[%dma_start3A_146, %dma_start3A_147] : memref<20000x64xf32, #tpu.memory_space<hbm>> -> memref<20000x64xf32, #tpu.memory_space<hbm>>
        tpu.enqueue_indirect_dma source(%dma_start3A_148 : memref<20000x64xf32, #tpu.memory_space<hbm>>) target(%arg9 : memref<125x64xf32, #tpu.memory_space<vmem>>) offsets(%dma_start3A_145 : memref<125xi32, #tpu.memory_space<vmem>>) semaphore(%arg15 : memref<!tpu.dma_semaphore, #tpu.memory_space<semaphore_mem>>)
      } else {
      }
      %add3A_63 = arith.constant 1 : i32
      %add3A_64 = arith.addi %mul3A_47, %add3A_63 : i32
      %dma_wait3A_65 = arith.constant 0 : i32
      %dma_wait3A_66 = tpu.memref_slice %arg7[%add3A_64, %dma_wait3A_65] : memref<160x125xi32, #tpu.memory_space<vmem>> -> memref<1x125xi32, #tpu.memory_space<vmem>>
      %dma_wait3A_67 = tpu.memref_squeeze %dma_wait3A_66 : memref<1x125xi32, #tpu.memory_space<vmem>> -> memref<125xi32, #tpu.memory_space<vmem>>
      %dma_wait3A_68 = arith.constant 0 : i32
      %dma_wait3A_69 = arith.constant 0 : i32
      %dma_wait3A_70 = tpu.memref_slice %arg2[%dma_wait3A_68, %dma_wait3A_69] : memref<20000x64xf32, #tpu.memory_space<hbm>> -> memref<20000x64xf32, #tpu.memory_space<hbm>>
      tpu.wait_indirect_dma semaphore(%arg16 : memref<!tpu.dma_semaphore, #tpu.memory_space<semaphore_mem>>) src(%dma_wait3A_70 : memref<20000x64xf32, #tpu.memory_space<hbm>>) dst(%arg10 : memref<125x64xf32, #tpu.memory_space<vmem>>)
      %add3A_71 = arith.constant 1 : i32
      %add3A_72 = arith.addi %mul3A_47, %add3A_71 : i32
      "tpu.region"() ({
        %run_scoped3A = tpu.sem_alloc : memref<!tpu.dma_semaphore, #tpu.memory_space<semaphore_mem>>
        %dma_start3A_139 = arith.constant 0 : i32
        %dma_start3A_140 = tpu.memref_slice %arg8[%add3A_72, %dma_start3A_139] : memref<160x125xi32, #tpu.memory_space<vmem>> -> memref<1x125xi32, #tpu.memory_space<vmem>>
        %dma_start3A_141 = tpu.memref_squeeze %dma_start3A_140 : memref<1x125xi32, #tpu.memory_space<vmem>> -> memref<125xi32, #tpu.memory_space<vmem>>
        %dma_start3A_142 = arith.constant 0 : i32
        %dma_start3A_143 = arith.constant 0 : i32
        %dma_start3A_144 = tpu.memref_slice %arg14[%dma_start3A_142, %dma_start3A_143] : memref<10240x64xf32, #tpu.memory_space<vmem_shared>> -> memref<10240x64xf32, #tpu.memory_space<vmem_shared>>
        tpu.enqueue_indirect_dma source(%arg10 : memref<125x64xf32, #tpu.memory_space<vmem>>) target(%dma_start3A_144 : memref<10240x64xf32, #tpu.memory_space<vmem_shared>>) offsets(%dma_start3A_141 : memref<125xi32, #tpu.memory_space<vmem>>) semaphore(%run_scoped3A : memref<!tpu.dma_semaphore, #tpu.memory_space<semaphore_mem>>) {add = true}
        %dma_wait3A_145 = arith.constant 0 : i32
        %dma_wait3A_146 = tpu.memref_slice %arg8[%add3A_72, %dma_wait3A_145] : memref<160x125xi32, #tpu.memory_space<vmem>> -> memref<1x125xi32, #tpu.memory_space<vmem>>
        %dma_wait3A_147 = tpu.memref_squeeze %dma_wait3A_146 : memref<1x125xi32, #tpu.memory_space<vmem>> -> memref<125xi32, #tpu.memory_space<vmem>>
        %dma_wait3A_148 = arith.constant 0 : i32
        %dma_wait3A_149 = arith.constant 0 : i32
        %dma_wait3A_150 = tpu.memref_slice %arg14[%dma_wait3A_148, %dma_wait3A_149] : memref<10240x64xf32, #tpu.memory_space<vmem_shared>> -> memref<10240x64xf32, #tpu.memory_space<vmem_shared>>
        tpu.wait_indirect_dma semaphore(%run_scoped3A : memref<!tpu.dma_semaphore, #tpu.memory_space<semaphore_mem>>) src(%arg10 : memref<125x64xf32, #tpu.memory_space<vmem>>) dst(%dma_wait3A_150 : memref<10240x64xf32, #tpu.memory_space<vmem_shared>>)
        tpu.yield
      }) : () -> ()
      %add3A_73 = arith.constant 1 : i32
      %add3A_74 = arith.addi %mul3A_47, %add3A_73 : i32
      %add3A_75 = arith.constant 5 : i32
      %add3A_76 = arith.addi %add3A_74, %add3A_75 : i32
      %lt3A_77 = arith.constant 160 : i32
      %lt3A_78 = arith.cmpi slt, %add3A_76, %lt3A_77 : i32
      %convert_element_type3A_79 = arith.extui %lt3A_78 : i1 to i32
      %cond3A_80 = arith.constant 0 : i32
      %cond3A_81 = arith.cmpi ne, %convert_element_type3A_79, %cond3A_80 : i32
      scf.if %cond3A_81 {
        %add3A_139 = arith.constant 1 : i32
        %add3A_140 = arith.addi %mul3A_47, %add3A_139 : i32
        %add3A_141 = arith.constant 5 : i32
        %add3A_142 = arith.addi %add3A_140, %add3A_141 : i32
        %dma_start3A_143 = arith.constant 0 : i32
        %dma_start3A_144 = tpu.memref_slice %arg7[%add3A_142, %dma_start3A_143] : memref<160x125xi32, #tpu.memory_space<vmem>> -> memref<1x125xi32, #tpu.memory_space<vmem>>
        %dma_start3A_145 = tpu.memref_squeeze %dma_start3A_144 : memref<1x125xi32, #tpu.memory_space<vmem>> -> memref<125xi32, #tpu.memory_space<vmem>>
        %dma_start3A_146 = arith.constant 0 : i32
        %dma_start3A_147 = arith.constant 0 : i32
        %dma_start3A_148 = tpu.memref_slice %arg2[%dma_start3A_146, %dma_start3A_147] : memref<20000x64xf32, #tpu.memory_space<hbm>> -> memref<20000x64xf32, #tpu.memory_space<hbm>>
        tpu.enqueue_indirect_dma source(%dma_start3A_148 : memref<20000x64xf32, #tpu.memory_space<hbm>>) target(%arg10 : memref<125x64xf32, #tpu.memory_space<vmem>>) offsets(%dma_start3A_145 : memref<125xi32, #tpu.memory_space<vmem>>) semaphore(%arg16 : memref<!tpu.dma_semaphore, #tpu.memory_space<semaphore_mem>>)
      } else {
      }
      %add3A_82 = arith.constant 2 : i32
      %add3A_83 = arith.addi %mul3A_47, %add3A_82 : i32
      %dma_wait3A_84 = arith.constant 0 : i32
      %dma_wait3A_85 = tpu.memref_slice %arg7[%add3A_83, %dma_wait3A_84] : memref<160x125xi32, #tpu.memory_space<vmem>> -> memref<1x125xi32, #tpu.memory_space<vmem>>
      %dma_wait3A_86 = tpu.memref_squeeze %dma_wait3A_85 : memref<1x125xi32, #tpu.memory_space<vmem>> -> memref<125xi32, #tpu.memory_space<vmem>>
      %dma_wait3A_87 = arith.constant 0 : i32
      %dma_wait3A_88 = arith.constant 0 : i32
      %dma_wait3A_89 = tpu.memref_slice %arg2[%dma_wait3A_87, %dma_wait3A_88] : memref<20000x64xf32, #tpu.memory_space<hbm>> -> memref<20000x64xf32, #tpu.memory_space<hbm>>
      tpu.wait_indirect_dma semaphore(%arg17 : memref<!tpu.dma_semaphore, #tpu.memory_space<semaphore_mem>>) src(%dma_wait3A_89 : memref<20000x64xf32, #tpu.memory_space<hbm>>) dst(%arg11 : memref<125x64xf32, #tpu.memory_space<vmem>>)
      %add3A_90 = arith.constant 2 : i32
      %add3A_91 = arith.addi %mul3A_47, %add3A_90 : i32
      "tpu.region"() ({
        %run_scoped3A = tpu.sem_alloc : memref<!tpu.dma_semaphore, #tpu.memory_space<semaphore_mem>>
        %dma_start3A_139 = arith.constant 0 : i32
        %dma_start3A_140 = tpu.memref_slice %arg8[%add3A_91, %dma_start3A_139] : memref<160x125xi32, #tpu.memory_space<vmem>> -> memref<1x125xi32, #tpu.memory_space<vmem>>
        %dma_start3A_141 = tpu.memref_squeeze %dma_start3A_140 : memref<1x125xi32, #tpu.memory_space<vmem>> -> memref<125xi32, #tpu.memory_space<vmem>>
        %dma_start3A_142 = arith.constant 0 : i32
        %dma_start3A_143 = arith.constant 0 : i32
        %dma_start3A_144 = tpu.memref_slice %arg14[%dma_start3A_142, %dma_start3A_143] : memref<10240x64xf32, #tpu.memory_space<vmem_shared>> -> memref<10240x64xf32, #tpu.memory_space<vmem_shared>>
        tpu.enqueue_indirect_dma source(%arg11 : memref<125x64xf32, #tpu.memory_space<vmem>>) target(%dma_start3A_144 : memref<10240x64xf32, #tpu.memory_space<vmem_shared>>) offsets(%dma_start3A_141 : memref<125xi32, #tpu.memory_space<vmem>>) semaphore(%run_scoped3A : memref<!tpu.dma_semaphore, #tpu.memory_space<semaphore_mem>>) {add = true}
        %dma_wait3A_145 = arith.constant 0 : i32
        %dma_wait3A_146 = tpu.memref_slice %arg8[%add3A_91, %dma_wait3A_145] : memref<160x125xi32, #tpu.memory_space<vmem>> -> memref<1x125xi32, #tpu.memory_space<vmem>>
        %dma_wait3A_147 = tpu.memref_squeeze %dma_wait3A_146 : memref<1x125xi32, #tpu.memory_space<vmem>> -> memref<125xi32, #tpu.memory_space<vmem>>
        %dma_wait3A_148 = arith.constant 0 : i32
        %dma_wait3A_149 = arith.constant 0 : i32
        %dma_wait3A_150 = tpu.memref_slice %arg14[%dma_wait3A_148, %dma_wait3A_149] : memref<10240x64xf32, #tpu.memory_space<vmem_shared>> -> memref<10240x64xf32, #tpu.memory_space<vmem_shared>>
        tpu.wait_indirect_dma semaphore(%run_scoped3A : memref<!tpu.dma_semaphore, #tpu.memory_space<semaphore_mem>>) src(%arg11 : memref<125x64xf32, #tpu.memory_space<vmem>>) dst(%dma_wait3A_150 : memref<10240x64xf32, #tpu.memory_space<vmem_shared>>)
        tpu.yield
      }) : () -> ()
      %add3A_92 = arith.constant 2 : i32
      %add3A_93 = arith.addi %mul3A_47, %add3A_92 : i32
      %add3A_94 = arith.constant 5 : i32
      %add3A_95 = arith.addi %add3A_93, %add3A_94 : i32
      %lt3A_96 = arith.constant 160 : i32
      %lt3A_97 = arith.cmpi slt, %add3A_95, %lt3A_96 : i32
      %convert_element_type3A_98 = arith.extui %lt3A_97 : i1 to i32
      %cond3A_99 = arith.constant 0 : i32
      %cond3A_100 = arith.cmpi ne, %convert_element_type3A_98, %cond3A_99 : i32
      scf.if %cond3A_100 {
        %add3A_139 = arith.constant 2 : i32
        %add3A_140 = arith.addi %mul3A_47, %add3A_139 : i32
        %add3A_141 = arith.constant 5 : i32
        %add3A_142 = arith.addi %add3A_140, %add3A_141 : i32
        %dma_start3A_143 = arith.constant 0 : i32
        %dma_start3A_144 = tpu.memref_slice %arg7[%add3A_142, %dma_start3A_143] : memref<160x125xi32, #tpu.memory_space<vmem>> -> memref<1x125xi32, #tpu.memory_space<vmem>>
        %dma_start3A_145 = tpu.memref_squeeze %dma_start3A_144 : memref<1x125xi32, #tpu.memory_space<vmem>> -> memref<125xi32, #tpu.memory_space<vmem>>
        %dma_start3A_146 = arith.constant 0 : i32
        %dma_start3A_147 = arith.constant 0 : i32
        %dma_start3A_148 = tpu.memref_slice %arg2[%dma_start3A_146, %dma_start3A_147] : memref<20000x64xf32, #tpu.memory_space<hbm>> -> memref<20000x64xf32, #tpu.memory_space<hbm>>
        tpu.enqueue_indirect_dma source(%dma_start3A_148 : memref<20000x64xf32, #tpu.memory_space<hbm>>) target(%arg11 : memref<125x64xf32, #tpu.memory_space<vmem>>) offsets(%dma_start3A_145 : memref<125xi32, #tpu.memory_space<vmem>>) semaphore(%arg17 : memref<!tpu.dma_semaphore, #tpu.memory_space<semaphore_mem>>)
      } else {
      }
      %add3A_101 = arith.constant 3 : i32
      %add3A_102 = arith.addi %mul3A_47, %add3A_101 : i32
      %dma_wait3A_103 = arith.constant 0 : i32
      %dma_wait3A_104 = tpu.memref_slice %arg7[%add3A_102, %dma_wait3A_103] : memref<160x125xi32, #tpu.memory_space<vmem>> -> memref<1x125xi32, #tpu.memory_space<vmem>>
      %dma_wait3A_105 = tpu.memref_squeeze %dma_wait3A_104 : memref<1x125xi32, #tpu.memory_space<vmem>> -> memref<125xi32, #tpu.memory_space<vmem>>
      %dma_wait3A_106 = arith.constant 0 : i32
      %dma_wait3A_107 = arith.constant 0 : i32
      %dma_wait3A_108 = tpu.memref_slice %arg2[%dma_wait3A_106, %dma_wait3A_107] : memref<20000x64xf32, #tpu.memory_space<hbm>> -> memref<20000x64xf32, #tpu.memory_space<hbm>>
      tpu.wait_indirect_dma semaphore(%arg18 : memref<!tpu.dma_semaphore, #tpu.memory_space<semaphore_mem>>) src(%dma_wait3A_108 : memref<20000x64xf32, #tpu.memory_space<hbm>>) dst(%arg12 : memref<125x64xf32, #tpu.memory_space<vmem>>)
      %add3A_109 = arith.constant 3 : i32
      %add3A_110 = arith.addi %mul3A_47, %add3A_109 : i32
      "tpu.region"() ({
        %run_scoped3A = tpu.sem_alloc : memref<!tpu.dma_semaphore, #tpu.memory_space<semaphore_mem>>
        %dma_start3A_139 = arith.constant 0 : i32
        %dma_start3A_140 = tpu.memref_slice %arg8[%add3A_110, %dma_start3A_139] : memref<160x125xi32, #tpu.memory_space<vmem>> -> memref<1x125xi32, #tpu.memory_space<vmem>>
        %dma_start3A_141 = tpu.memref_squeeze %dma_start3A_140 : memref<1x125xi32, #tpu.memory_space<vmem>> -> memref<125xi32, #tpu.memory_space<vmem>>
        %dma_start3A_142 = arith.constant 0 : i32
        %dma_start3A_143 = arith.constant 0 : i32
        %dma_start3A_144 = tpu.memref_slice %arg14[%dma_start3A_142, %dma_start3A_143] : memref<10240x64xf32, #tpu.memory_space<vmem_shared>> -> memref<10240x64xf32, #tpu.memory_space<vmem_shared>>
        tpu.enqueue_indirect_dma source(%arg12 : memref<125x64xf32, #tpu.memory_space<vmem>>) target(%dma_start3A_144 : memref<10240x64xf32, #tpu.memory_space<vmem_shared>>) offsets(%dma_start3A_141 : memref<125xi32, #tpu.memory_space<vmem>>) semaphore(%run_scoped3A : memref<!tpu.dma_semaphore, #tpu.memory_space<semaphore_mem>>) {add = true}
        %dma_wait3A_145 = arith.constant 0 : i32
        %dma_wait3A_146 = tpu.memref_slice %arg8[%add3A_110, %dma_wait3A_145] : memref<160x125xi32, #tpu.memory_space<vmem>> -> memref<1x125xi32, #tpu.memory_space<vmem>>
        %dma_wait3A_147 = tpu.memref_squeeze %dma_wait3A_146 : memref<1x125xi32, #tpu.memory_space<vmem>> -> memref<125xi32, #tpu.memory_space<vmem>>
        %dma_wait3A_148 = arith.constant 0 : i32
        %dma_wait3A_149 = arith.constant 0 : i32
        %dma_wait3A_150 = tpu.memref_slice %arg14[%dma_wait3A_148, %dma_wait3A_149] : memref<10240x64xf32, #tpu.memory_space<vmem_shared>> -> memref<10240x64xf32, #tpu.memory_space<vmem_shared>>
        tpu.wait_indirect_dma semaphore(%run_scoped3A : memref<!tpu.dma_semaphore, #tpu.memory_space<semaphore_mem>>) src(%arg12 : memref<125x64xf32, #tpu.memory_space<vmem>>) dst(%dma_wait3A_150 : memref<10240x64xf32, #tpu.memory_space<vmem_shared>>)
        tpu.yield
      }) : () -> ()
      %add3A_111 = arith.constant 3 : i32
      %add3A_112 = arith.addi %mul3A_47, %add3A_111 : i32
      %add3A_113 = arith.constant 5 : i32
      %add3A_114 = arith.addi %add3A_112, %add3A_113 : i32
      %lt3A_115 = arith.constant 160 : i32
      %lt3A_116 = arith.cmpi slt, %add3A_114, %lt3A_115 : i32
      %convert_element_type3A_117 = arith.extui %lt3A_116 : i1 to i32
      %cond3A_118 = arith.constant 0 : i32
      %cond3A_119 = arith.cmpi ne, %convert_element_type3A_117, %cond3A_118 : i32
      scf.if %cond3A_119 {
        %add3A_139 = arith.constant 3 : i32
        %add3A_140 = arith.addi %mul3A_47, %add3A_139 : i32
        %add3A_141 = arith.constant 5 : i32
        %add3A_142 = arith.addi %add3A_140, %add3A_141 : i32
        %dma_start3A_143 = arith.constant 0 : i32
        %dma_start3A_144 = tpu.memref_slice %arg7[%add3A_142, %dma_start3A_143] : memref<160x125xi32, #tpu.memory_space<vmem>> -> memref<1x125xi32, #tpu.memory_space<vmem>>
        %dma_start3A_145 = tpu.memref_squeeze %dma_start3A_144 : memref<1x125xi32, #tpu.memory_space<vmem>> -> memref<125xi32, #tpu.memory_space<vmem>>
        %dma_start3A_146 = arith.constant 0 : i32
        %dma_start3A_147 = arith.constant 0 : i32
        %dma_start3A_148 = tpu.memref_slice %arg2[%dma_start3A_146, %dma_start3A_147] : memref<20000x64xf32, #tpu.memory_space<hbm>> -> memref<20000x64xf32, #tpu.memory_space<hbm>>
        tpu.enqueue_indirect_dma source(%dma_start3A_148 : memref<20000x64xf32, #tpu.memory_space<hbm>>) target(%arg12 : memref<125x64xf32, #tpu.memory_space<vmem>>) offsets(%dma_start3A_145 : memref<125xi32, #tpu.memory_space<vmem>>) semaphore(%arg18 : memref<!tpu.dma_semaphore, #tpu.memory_space<semaphore_mem>>)
      } else {
      }
      %add3A_120 = arith.constant 4 : i32
      %add3A_121 = arith.addi %mul3A_47, %add3A_120 : i32
      %dma_wait3A_122 = arith.constant 0 : i32
      %dma_wait3A_123 = tpu.memref_slice %arg7[%add3A_121, %dma_wait3A_122] : memref<160x125xi32, #tpu.memory_space<vmem>> -> memref<1x125xi32, #tpu.memory_space<vmem>>
      %dma_wait3A_124 = tpu.memref_squeeze %dma_wait3A_123 : memref<1x125xi32, #tpu.memory_space<vmem>> -> memref<125xi32, #tpu.memory_space<vmem>>
      %dma_wait3A_125 = arith.constant 0 : i32
      %dma_wait3A_126 = arith.constant 0 : i32
      %dma_wait3A_127 = tpu.memref_slice %arg2[%dma_wait3A_125, %dma_wait3A_126] : memref<20000x64xf32, #tpu.memory_space<hbm>> -> memref<20000x64xf32, #tpu.memory_space<hbm>>
      tpu.wait_indirect_dma semaphore(%arg19 : memref<!tpu.dma_semaphore, #tpu.memory_space<semaphore_mem>>) src(%dma_wait3A_127 : memref<20000x64xf32, #tpu.memory_space<hbm>>) dst(%arg13 : memref<125x64xf32, #tpu.memory_space<vmem>>)
      %add3A_128 = arith.constant 4 : i32
      %add3A_129 = arith.addi %mul3A_47, %add3A_128 : i32
      "tpu.region"() ({
        %run_scoped3A = tpu.sem_alloc : memref<!tpu.dma_semaphore, #tpu.memory_space<semaphore_mem>>
        %dma_start3A_139 = arith.constant 0 : i32
        %dma_start3A_140 = tpu.memref_slice %arg8[%add3A_129, %dma_start3A_139] : memref<160x125xi32, #tpu.memory_space<vmem>> -> memref<1x125xi32, #tpu.memory_space<vmem>>
        %dma_start3A_141 = tpu.memref_squeeze %dma_start3A_140 : memref<1x125xi32, #tpu.memory_space<vmem>> -> memref<125xi32, #tpu.memory_space<vmem>>
        %dma_start3A_142 = arith.constant 0 : i32
        %dma_start3A_143 = arith.constant 0 : i32
        %dma_start3A_144 = tpu.memref_slice %arg14[%dma_start3A_142, %dma_start3A_143] : memref<10240x64xf32, #tpu.memory_space<vmem_shared>> -> memref<10240x64xf32, #tpu.memory_space<vmem_shared>>
        tpu.enqueue_indirect_dma source(%arg13 : memref<125x64xf32, #tpu.memory_space<vmem>>) target(%dma_start3A_144 : memref<10240x64xf32, #tpu.memory_space<vmem_shared>>) offsets(%dma_start3A_141 : memref<125xi32, #tpu.memory_space<vmem>>) semaphore(%run_scoped3A : memref<!tpu.dma_semaphore, #tpu.memory_space<semaphore_mem>>) {add = true}
        %dma_wait3A_145 = arith.constant 0 : i32
        %dma_wait3A_146 = tpu.memref_slice %arg8[%add3A_129, %dma_wait3A_145] : memref<160x125xi32, #tpu.memory_space<vmem>> -> memref<1x125xi32, #tpu.memory_space<vmem>>
        %dma_wait3A_147 = tpu.memref_squeeze %dma_wait3A_146 : memref<1x125xi32, #tpu.memory_space<vmem>> -> memref<125xi32, #tpu.memory_space<vmem>>
        %dma_wait3A_148 = arith.constant 0 : i32
        %dma_wait3A_149 = arith.constant 0 : i32
        %dma_wait3A_150 = tpu.memref_slice %arg14[%dma_wait3A_148, %dma_wait3A_149] : memref<10240x64xf32, #tpu.memory_space<vmem_shared>> -> memref<10240x64xf32, #tpu.memory_space<vmem_shared>>
        tpu.wait_indirect_dma semaphore(%run_scoped3A : memref<!tpu.dma_semaphore, #tpu.memory_space<semaphore_mem>>) src(%arg13 : memref<125x64xf32, #tpu.memory_space<vmem>>) dst(%dma_wait3A_150 : memref<10240x64xf32, #tpu.memory_space<vmem_shared>>)
        tpu.yield
      }) : () -> ()
      %add3A_130 = arith.constant 4 : i32
      %add3A_131 = arith.addi %mul3A_47, %add3A_130 : i32
      %add3A_132 = arith.constant 5 : i32
      %add3A_133 = arith.addi %add3A_131, %add3A_132 : i32
      %lt3A_134 = arith.constant 160 : i32
      %lt3A_135 = arith.cmpi slt, %add3A_133, %lt3A_134 : i32
      %convert_element_type3A_136 = arith.extui %lt3A_135 : i1 to i32
      %cond3A_137 = arith.constant 0 : i32
      %cond3A_138 = arith.cmpi ne, %convert_element_type3A_136, %cond3A_137 : i32
      scf.if %cond3A_138 {
        %add3A_139 = arith.constant 4 : i32
        %add3A_140 = arith.addi %mul3A_47, %add3A_139 : i32
        %add3A_141 = arith.constant 5 : i32
        %add3A_142 = arith.addi %add3A_140, %add3A_141 : i32
        %dma_start3A_143 = arith.constant 0 : i32
        %dma_start3A_144 = tpu.memref_slice %arg7[%add3A_142, %dma_start3A_143] : memref<160x125xi32, #tpu.memory_space<vmem>> -> memref<1x125xi32, #tpu.memory_space<vmem>>
        %dma_start3A_145 = tpu.memref_squeeze %dma_start3A_144 : memref<1x125xi32, #tpu.memory_space<vmem>> -> memref<125xi32, #tpu.memory_space<vmem>>
        %dma_start3A_146 = arith.constant 0 : i32
        %dma_start3A_147 = arith.constant 0 : i32
        %dma_start3A_148 = tpu.memref_slice %arg2[%dma_start3A_146, %dma_start3A_147] : memref<20000x64xf32, #tpu.memory_space<hbm>> -> memref<20000x64xf32, #tpu.memory_space<hbm>>
        tpu.enqueue_indirect_dma source(%dma_start3A_148 : memref<20000x64xf32, #tpu.memory_space<hbm>>) target(%arg13 : memref<125x64xf32, #tpu.memory_space<vmem>>) offsets(%dma_start3A_145 : memref<125xi32, #tpu.memory_space<vmem>>) semaphore(%arg19 : memref<!tpu.dma_semaphore, #tpu.memory_space<semaphore_mem>>)
      } else {
      }
    }
    %scan3A_41 = arith.constant 32 : i32
    %barrier3A_42 = arith.constant 0 : index
    tpu.barrier barrier_id(%barrier3A_42)
    %mul3A_43 = arith.constant 64 : i32
    %mul3A_44 = arith.muli %arg0, %mul3A_43 : i32
    "tpu.region"() ({
      %run_scoped3A = tpu.sem_alloc : memref<!tpu.dma_semaphore, #tpu.memory_space<semaphore_mem>>
      %dma_start3A_45 = tpu.memref_slice %arg6[%mul3A_0, %mul3A_44] : memref<10240x128xf32, #tpu.memory_space<hbm>> -> memref<640x64xf32, #tpu.memory_space<hbm>>
      %dma_start3A_46 = arith.constant 0 : i32
      %dma_start3A_47 = tpu.memref_slice %arg14[%mul3A_0, %dma_start3A_46] : memref<10240x64xf32, #tpu.memory_space<vmem_shared>> -> memref<640x64xf32, #tpu.memory_space<vmem_shared>>
      tpu.enqueue_dma source(%dma_start3A_47 : memref<640x64xf32, #tpu.memory_space<vmem_shared>>) target(%dma_start3A_45 : memref<640x64xf32, #tpu.memory_space<hbm>>) target_semaphore(%run_scoped3A : memref<!tpu.dma_semaphore, #tpu.memory_space<semaphore_mem>>)
      %dma_wait3A = tpu.memref_slice %arg6[%mul3A_0, %mul3A_44] : memref<10240x128xf32, #tpu.memory_space<hbm>> -> memref<640x64xf32, #tpu.memory_space<hbm>>
      %dma_wait3A_48 = arith.constant 0 : i32
      %dma_wait3A_49 = tpu.memref_slice %arg14[%mul3A_0, %dma_wait3A_48] : memref<10240x64xf32, #tpu.memory_space<vmem_shared>> -> memref<640x64xf32, #tpu.memory_space<vmem_shared>>
      tpu.wait_dma2 semaphore(%run_scoped3A : memref<!tpu.dma_semaphore, #tpu.memory_space<semaphore_mem>>) src(%dma_wait3A_49 : memref<640x64xf32, #tpu.memory_space<vmem_shared>>) dst(%dma_wait3A : memref<640x64xf32, #tpu.memory_space<hbm>>)
      tpu.yield
    }) : () -> ()
    return
  }
}

module attributes {stable_mosaic.version = 14 : i64} {
  func.func @_mlp_body(%arg0: memref<10000x128xf32, #tpu.memory_space<vmem>>, %arg1: memref<10240x128xf32, #tpu.memory_space<vmem>>, %arg2: memref<3xf32, #tpu.memory_space<smem>>, %arg3: memref<128x128xf32, #tpu.memory_space<vmem>>, %arg4: memref<1x128xf32, #tpu.memory_space<vmem>>, %arg5: memref<1x128xf32, #tpu.memory_space<vmem>>, %arg6: memref<1x128xf32, #tpu.memory_space<vmem>>, %arg7: memref<128x128xf32, #tpu.memory_space<vmem>>, %arg8: memref<1x128xf32, #tpu.memory_space<vmem>>, %arg9: memref<1x128xf32, #tpu.memory_space<vmem>>, %arg10: memref<1x128xf32, #tpu.memory_space<vmem>>, %arg11: memref<10000x128xf32, #tpu.memory_space<vmem>>) attributes {dimension_semantics = [], scalar_prefetch = 0 : i64, scratch_operands = 0 : i64, tpu.core_type = #tpu.core_type<tc>} {
    %get3A = arith.constant 0 : index
    %get3A_0 = memref.load %arg2[%get3A] : memref<3xf32, #tpu.memory_space<smem>>
    %add3A = arith.constant 1.000000e+00 : f32
    %add3A_1 = arith.addf %add3A, %get3A_0 : f32
    %get3A_2 = arith.constant 0 : index
    %get3A_3 = arith.constant 0 : index
    %get3A_4 = vector.load %arg0[%get3A_2, %get3A_3] : memref<10000x128xf32, #tpu.memory_space<vmem>>, vector<10000x128xf32>
    %mul3A = vector.broadcast %add3A_1 : f32 to vector<10000x128xf32>
    %mul3A_5 = arith.mulf %mul3A, %get3A_4 : vector<10000x128xf32>
    %get3A_6 = arith.constant 0 : index
    %get3A_7 = arith.constant 0 : index
    %get3A_8 = vector.load %arg1[%get3A_6, %get3A_7] : memref<10240x128xf32, #tpu.memory_space<vmem>>, vector<10000x128xf32>
    %add3A_9 = arith.addf %mul3A_5, %get3A_8 : vector<10000x128xf32>
    %get3A_10 = arith.constant 0 : index
    %get3A_11 = arith.constant 0 : index
    %get3A_12 = vector.load %arg3[%get3A_10, %get3A_11] : memref<128x128xf32, #tpu.memory_space<vmem>>, vector<128x128xf32>
    %dot_general3A = arith.constant dense<0.000000e+00> : vector<10000x128xf32>
    %dot_general3A_13 = tpu.matmul %add3A_9, %get3A_12, %dot_general3A {dimension_numbers = #tpu.dot_dimension_numbers<[1], [1], [0], [0], [0, 0, 1, 0], [], []>, transpose_lhs_hint = false} : vector<10000x128xf32>, vector<128x128xf32>, vector<10000x128xf32> -> vector<10000x128xf32>
    %get3A_14 = arith.constant 0 : index
    %get3A_15 = arith.constant 0 : index
    %get3A_16 = vector.load %arg4[%get3A_14, %get3A_15] : memref<1x128xf32, #tpu.memory_space<vmem>>, vector<1x128xf32>
    %add3A_17 = vector.broadcast %get3A_16 : vector<1x128xf32> to vector<10000x128xf32>
    %add3A_18 = arith.addf %dot_general3A_13, %add3A_17 : vector<10000x128xf32>
    %reduce_sum3A = arith.constant dense<0.000000e+00> : vector<128xf32>
    %reduce_sum3A_19 = vector.multi_reduction <add>, %add3A_18, %reduce_sum3A [0] : vector<10000x128xf32> to vector<128xf32>
    %broadcast_in_dim3A = vector.shape_cast %reduce_sum3A_19 : vector<128xf32> to vector<1x128xf32>
    %div3A = arith.constant 1.000000e+04 : f32
    %div3A_20 = vector.broadcast %div3A : f32 to vector<1x128xf32>
    %div3A_21 = arith.divf %broadcast_in_dim3A, %div3A_20 : vector<1x128xf32>
    %sub3A = vector.broadcast %div3A_21 : vector<1x128xf32> to vector<10000x128xf32>
    %sub3A_22 = arith.subf %add3A_18, %sub3A : vector<10000x128xf32>
    %integer_pow3A = arith.mulf %sub3A_22, %sub3A_22 : vector<10000x128xf32>
    %reduce_sum3A_23 = arith.constant dense<0.000000e+00> : vector<128xf32>
    %reduce_sum3A_24 = vector.multi_reduction <add>, %integer_pow3A, %reduce_sum3A_23 [0] : vector<10000x128xf32> to vector<128xf32>
    %broadcast_in_dim3A_25 = vector.shape_cast %reduce_sum3A_24 : vector<128xf32> to vector<1x128xf32>
    %div3A_26 = arith.constant 1.000000e+04 : f32
    %div3A_27 = vector.broadcast %div3A_26 : f32 to vector<1x128xf32>
    %div3A_28 = arith.divf %broadcast_in_dim3A_25, %div3A_27 : vector<1x128xf32>
    %sub3A_29 = vector.broadcast %div3A_21 : vector<1x128xf32> to vector<10000x128xf32>
    %sub3A_30 = arith.subf %add3A_18, %sub3A_29 : vector<10000x128xf32>
    %add3A_31 = arith.constant 9.99999974E-6 : f32
    %add3A_32 = vector.broadcast %add3A_31 : f32 to vector<1x128xf32>
    %add3A_33 = arith.addf %div3A_28, %add3A_32 : vector<1x128xf32>
    %rsqrt3A = math.rsqrt %add3A_33 : vector<1x128xf32>
    %mul3A_34 = vector.broadcast %rsqrt3A : vector<1x128xf32> to vector<10000x128xf32>
    %mul3A_35 = arith.mulf %sub3A_30, %mul3A_34 : vector<10000x128xf32>
    %get3A_36 = arith.constant 0 : index
    %get3A_37 = arith.constant 0 : index
    %get3A_38 = vector.load %arg5[%get3A_36, %get3A_37] : memref<1x128xf32, #tpu.memory_space<vmem>>, vector<1x128xf32>
    %mul3A_39 = vector.broadcast %get3A_38 : vector<1x128xf32> to vector<10000x128xf32>
    %mul3A_40 = arith.mulf %mul3A_39, %mul3A_35 : vector<10000x128xf32>
    %get3A_41 = arith.constant 0 : index
    %get3A_42 = arith.constant 0 : index
    %get3A_43 = vector.load %arg6[%get3A_41, %get3A_42] : memref<1x128xf32, #tpu.memory_space<vmem>>, vector<1x128xf32>
    %add3A_44 = vector.broadcast %get3A_43 : vector<1x128xf32> to vector<10000x128xf32>
    %add3A_45 = arith.addf %mul3A_40, %add3A_44 : vector<10000x128xf32>
    %ge3A = arith.constant 0.000000e+00 : f32
    %ge3A_46 = vector.broadcast %ge3A : f32 to vector<10000x128xf32>
    %ge3A_47 = arith.cmpf oge, %add3A_45, %ge3A_46 : vector<10000x128xf32>
    %get3A_48 = arith.constant 1 : index
    %get3A_49 = memref.load %arg2[%get3A_48] : memref<3xf32, #tpu.memory_space<smem>>
    %mul3A_50 = vector.broadcast %get3A_49 : f32 to vector<10000x128xf32>
    %mul3A_51 = arith.mulf %mul3A_50, %add3A_45 : vector<10000x128xf32>
    %select_n3A = arith.select %ge3A_47, %add3A_45, %mul3A_51 : vector<10000x128xi1>, vector<10000x128xf32>
    %get3A_52 = arith.constant 0 : index
    %get3A_53 = arith.constant 0 : index
    %get3A_54 = vector.load %arg7[%get3A_52, %get3A_53] : memref<128x128xf32, #tpu.memory_space<vmem>>, vector<128x128xf32>
    %dot_general3A_55 = arith.constant dense<0.000000e+00> : vector<10000x128xf32>
    %dot_general3A_56 = tpu.matmul %select_n3A, %get3A_54, %dot_general3A_55 {dimension_numbers = #tpu.dot_dimension_numbers<[1], [1], [0], [0], [0, 0, 1, 0], [], []>, transpose_lhs_hint = false} : vector<10000x128xf32>, vector<128x128xf32>, vector<10000x128xf32> -> vector<10000x128xf32>
    %get3A_57 = arith.constant 0 : index
    %get3A_58 = arith.constant 0 : index
    %get3A_59 = vector.load %arg8[%get3A_57, %get3A_58] : memref<1x128xf32, #tpu.memory_space<vmem>>, vector<1x128xf32>
    %add3A_60 = vector.broadcast %get3A_59 : vector<1x128xf32> to vector<10000x128xf32>
    %add3A_61 = arith.addf %dot_general3A_56, %add3A_60 : vector<10000x128xf32>
    %reduce_sum3A_62 = arith.constant dense<0.000000e+00> : vector<128xf32>
    %reduce_sum3A_63 = vector.multi_reduction <add>, %add3A_61, %reduce_sum3A_62 [0] : vector<10000x128xf32> to vector<128xf32>
    %broadcast_in_dim3A_64 = vector.shape_cast %reduce_sum3A_63 : vector<128xf32> to vector<1x128xf32>
    %div3A_65 = arith.constant 1.000000e+04 : f32
    %div3A_66 = vector.broadcast %div3A_65 : f32 to vector<1x128xf32>
    %div3A_67 = arith.divf %broadcast_in_dim3A_64, %div3A_66 : vector<1x128xf32>
    %sub3A_68 = vector.broadcast %div3A_67 : vector<1x128xf32> to vector<10000x128xf32>
    %sub3A_69 = arith.subf %add3A_61, %sub3A_68 : vector<10000x128xf32>
    %integer_pow3A_70 = arith.mulf %sub3A_69, %sub3A_69 : vector<10000x128xf32>
    %reduce_sum3A_71 = arith.constant dense<0.000000e+00> : vector<128xf32>
    %reduce_sum3A_72 = vector.multi_reduction <add>, %integer_pow3A_70, %reduce_sum3A_71 [0] : vector<10000x128xf32> to vector<128xf32>
    %broadcast_in_dim3A_73 = vector.shape_cast %reduce_sum3A_72 : vector<128xf32> to vector<1x128xf32>
    %div3A_74 = arith.constant 1.000000e+04 : f32
    %div3A_75 = vector.broadcast %div3A_74 : f32 to vector<1x128xf32>
    %div3A_76 = arith.divf %broadcast_in_dim3A_73, %div3A_75 : vector<1x128xf32>
    %sub3A_77 = vector.broadcast %div3A_67 : vector<1x128xf32> to vector<10000x128xf32>
    %sub3A_78 = arith.subf %add3A_61, %sub3A_77 : vector<10000x128xf32>
    %add3A_79 = arith.constant 9.99999974E-6 : f32
    %add3A_80 = vector.broadcast %add3A_79 : f32 to vector<1x128xf32>
    %add3A_81 = arith.addf %div3A_76, %add3A_80 : vector<1x128xf32>
    %rsqrt3A_82 = math.rsqrt %add3A_81 : vector<1x128xf32>
    %mul3A_83 = vector.broadcast %rsqrt3A_82 : vector<1x128xf32> to vector<10000x128xf32>
    %mul3A_84 = arith.mulf %sub3A_78, %mul3A_83 : vector<10000x128xf32>
    %get3A_85 = arith.constant 0 : index
    %get3A_86 = arith.constant 0 : index
    %get3A_87 = vector.load %arg9[%get3A_85, %get3A_86] : memref<1x128xf32, #tpu.memory_space<vmem>>, vector<1x128xf32>
    %mul3A_88 = vector.broadcast %get3A_87 : vector<1x128xf32> to vector<10000x128xf32>
    %mul3A_89 = arith.mulf %mul3A_88, %mul3A_84 : vector<10000x128xf32>
    %get3A_90 = arith.constant 0 : index
    %get3A_91 = arith.constant 0 : index
    %get3A_92 = vector.load %arg10[%get3A_90, %get3A_91] : memref<1x128xf32, #tpu.memory_space<vmem>>, vector<1x128xf32>
    %add3A_93 = vector.broadcast %get3A_92 : vector<1x128xf32> to vector<10000x128xf32>
    %add3A_94 = arith.addf %mul3A_89, %add3A_93 : vector<10000x128xf32>
    %ge3A_95 = arith.constant 0.000000e+00 : f32
    %ge3A_96 = vector.broadcast %ge3A_95 : f32 to vector<10000x128xf32>
    %ge3A_97 = arith.cmpf oge, %add3A_94, %ge3A_96 : vector<10000x128xf32>
    %get3A_98 = arith.constant 2 : index
    %get3A_99 = memref.load %arg2[%get3A_98] : memref<3xf32, #tpu.memory_space<smem>>
    %mul3A_100 = vector.broadcast %get3A_99 : f32 to vector<10000x128xf32>
    %mul3A_101 = arith.mulf %mul3A_100, %add3A_94 : vector<10000x128xf32>
    %select_n3A_102 = arith.select %ge3A_97, %add3A_94, %mul3A_101 : vector<10000x128xi1>, vector<10000x128xf32>
    %swap3A = arith.constant 0 : index
    %swap3A_103 = arith.constant 0 : index
    %swap3A_104 = vector.load %arg11[%swap3A, %swap3A_103] : memref<10000x128xf32, #tpu.memory_space<vmem>>, vector<10000x128xf32>
    tpu.vector_store %arg11[%swap3A, %swap3A_103], %select_n3A_102 {strides = array<i32>} : memref<10000x128xf32, #tpu.memory_space<vmem>>, vector<10000x128xf32>,
    return
  }
}

</mosaic_0001>

<sc_bundles>
// kernel: kernel.4.cloned.1.call-start
scs
__scs_entry_jumppad:
0x0: {  	(pc) =	sbr.rel $0x88, $3  }
0x1: {  	(tag) =	ssettag $0x0;
	lr =	simm.s32 $0x1  }
0x2: {  	[smem:$0x3F94] =	sst lr;
	_ =	strace $0xD0000000  }
0x3: {  	_ = 	snop  }
0x4: {  	_ = 	snop  }
0x5: {  	_ = 	snop  }
0x6: {  	_ = 	snop  }
0x7: {  	_ = 	snop  }
__scs_overlays_trampoline_lowered:
0x8: {  	[smem:$0x3FA3] =	sst s0  }
0x9: {  	[smem:$0x3FA4] =	sst s1  }
0xa: {  	[smem:$0x3FA5] =	sst s2  }
0xb: {  	[smem:$0x3FA6] =	sst s3  }
0xc: {  	[smem:$0x3FA7] =	sst s4  }
0xd: {  	[smem:$0x3FA8] =	sst s5  }
0xe: {  	[smem:$0x3FA9] =	sst s6  }
0xf: {  	[smem:$0x3FAA] =	sst s7  }
0x10: {  	[smem:$0x3FAB] =	sst s8  }
0x11: {  	[smem:$0x3FAC] =	sst s9;
	s0 =	simm.s32 @!p0 $0x0  }
0x12: {  	s1 =	sld [smem:$0x3F92];
	s0 =	simm.s32 @p0 $0x1  }
0x13: {  	[smem:$0x3FAD] =	sst s0;
	s0 =	simm.s32 @!p1 $0x0  }
0x14: {  	s2 =	sld [smem:$0x3F91];
	s0 =	simm.s32 @p1 $0x1  }
0x15: {  	[smem:$0x3FAE] =	sst s0;
	s0 =	simm.s32 @!p2 $0x0  }
0x16: {  	s3 =	sld [smem:$0x3FDB];
	s0 =	simm.s32 @p2 $0x1  }
0x17: {  	s4 =	simm.s32 $0x1BF5;
	[smem:$0x3FB0] =	sst s0  }
0x18: {  	s0 =	sld [smem:$0x3F93];
	_ =	swait.ge [sflag:s4], $0x0  }
0x19: {  	s7 =	sld [smem:$0x3F94]  }
0x1a: {  	s8 =	sadd.s32 $0xFFFFE003, lr  }
0x1b: {  	s9 =	sadd.s32 $0xFFFFFEF7, lr;
	s5 =	simm.s32 $0xFFFFFFFF;
	p2 =	slt.u32 s8, $0xFFFFF086  }
0x1c: {  	p1 =	slt.u32 s9, $0xF7A;
	s5 =	simm.s32 @!p2 $0x0  }
0x1d: {  	s5 =	simm.s32 @p1 $0x1;
	p0 =	seq.s32 s7, s2  }
0x1e: {  	s7 =	smul.u32 @!p0 $0xF7A, s2;
	p2 =	seq.s32 @!p0 s5, $0x0  }
0x1f: {  	s9 =	smul.u32 $0xF7A, s1;
	s8 =	simm.s32 @!p0 $0x1BF5;
	p2 =	por !p2, p0  }
0x20: {  	[sflag:s8] =	ssyncset.s32 @!p0 $0xFFFFF086;
	s6 =	sadd.s32 @!p0 s3, s7;
	s7 =	simm.s32 @!p0 $0x108  }
0x21: {  	s3 =	sadd.s32 s3, s9;
	s6 =	sadd.s32 @!p0 $0x88, s6;
	s7 =	simm.s32 @p2 $0x1082  }
0x22: {  	[simem:s7], [sflag:s8] =	dma.local @!p0 [hbm:s6], $0xF7A  }
0x23: {  	s9 =	sor.u32 $0xD0000000, s2;
	s6 =	simm.s32 $0x108;
	_ =	swait.ge @!p0 [sflag:s8], $0x0  }
0x24: {  	s3 =	sadd.s32 $0x88, s3;
	s6 =	simm.s32 @!p1 $0x1082;
	[sflag:s4] =	ssyncset.s32 $0xFFFFF086  }
0x25: {  	[simem:s6], [sflag:s4] =	dma.local [hbm:s3], $0xF7A  }
0x26: {  	[smem:$0x3F94] =	sst s1;
	(tag) =	ssettag s2;
	_ =	strace s9  }
0x27: {  	s1 =	sld [smem:$0x3FA4]  }
0x28: {  	s2 =	sld [smem:$0x3FA5]  }
0x29: {  	s4 =	sld [smem:$0x3FA7]  }
0x2a: {  	p0 =	seq.s32 s5, $0x0;
	s5 =	sld [smem:$0x3FA8]  }
0x2b: {  	s6 =	sld [smem:$0x3FA9]  }
0x2c: {  	s7 =	sld [smem:$0x3FAA]  }
0x2d: {  	s3 =	simm.s32 $0x108;
	s8 =	sld [smem:$0x3FAB]  }
0x2e: {  	s3 =	simm.s32 @!p0 $0x1082;
	s9 =	sld [smem:$0x3FAC]  }
0x2f: {  	lr =	sadd.s32 s0, s3;
	s0 =	sld [smem:$0x3FA3]  }
0x30: {  	s3 =	sld [smem:$0x3FA6]  }
0x31: {  	[smem:$0x3FAF] =	sst s10  }
0x32: {  	s10 =	sld [smem:$0x3FAD];
	_ =	sdelay $0x3  }
0x33: {  	p0 =	seq.s32 s10, $0x1;
	s10 =	sld [smem:$0x3FAF];
	_ =	sdelay $0x3  }
0x34: {  	[smem:$0x3FAF] =	sst s10  }
0x35: {  	s10 =	sld [smem:$0x3FAE];
	_ =	sdelay $0x3  }
0x36: {  	p1 =	seq.s32 s10, $0x1;
	s10 =	sld [smem:$0x3FAF];
	_ =	sdelay $0x3  }
0x37: {  	[smem:$0x3FAF] =	sst s10  }
0x38: {  	s10 =	sld [smem:$0x3FB0]  }
0x39: {  	_ = 	snop;
	(pc) =	sbr.ind lr, $3  }
0x3a: {  	_ = 	snop  }
0x3b: {  	_ = 	snop  }
0x3c: {  	p2 =	seq.s32 s10, $0x1;
	s10 =	sld [smem:$0x3FAF]  }
0x3d: {  	_ =	shalt  }
0x3e: {  	_ =	shalt  }
0x3f: {  	_ =	shalt  }
0x40: {  	_ =	shalt  }
0x41: {  	_ =	shalt  }
0x42: {  	_ =	shalt  }
0x43: {  	_ =	shalt  }
0x44: {  	_ =	shalt  }
0x45: {  	_ =	shalt  }
0x46: {  	_ =	shalt  }
0x47: {  	_ =	shalt  }
0x48: {  	_ =	shalt  }
0x49: {  	_ =	shalt  }
0x4a: {  	_ =	shalt  }
0x4b: {  	_ =	shalt  }
0x4c: {  	_ =	shalt  }
0x4d: {  	_ =	shalt  }
0x4e: {  	_ =	shalt  }
0x4f: {  	_ =	shalt  }
0x50: {  	_ =	shalt  }
0x51: {  	_ =	shalt  }
0x52: {  	_ =	shalt  }
0x53: {  	_ =	shalt  }
0x54: {  	_ =	shalt  }
0x55: {  	_ =	shalt  }
0x56: {  	_ =	shalt  }
0x57: {  	_ =	shalt  }
0x58: {  	_ =	shalt  }
0x59: {  	_ =	shalt  }
0x5a: {  	_ =	shalt  }
0x5b: {  	_ =	shalt  }
0x5c: {  	_ =	shalt  }
0x5d: {  	_ =	shalt  }
0x5e: {  	_ =	shalt  }
0x5f: {  	_ =	shalt  }
0x60: {  	_ =	shalt  }
0x61: {  	_ =	shalt  }
0x62: {  	_ =	shalt  }
0x63: {  	_ =	shalt  }
0x64: {  	_ =	shalt  }
0x65: {  	_ =	shalt  }
0x66: {  	_ =	shalt  }
0x67: {  	_ =	shalt  }
0x68: {  	_ =	shalt  }
0x69: {  	_ =	shalt  }
0x6a: {  	_ =	shalt  }
0x6b: {  	_ =	shalt  }
0x6c: {  	_ =	shalt  }
0x6d: {  	_ =	shalt  }
0x6e: {  	_ =	shalt  }
0x6f: {  	_ =	shalt  }
0x70: {  	_ =	shalt  }
0x71: {  	_ =	shalt  }
0x72: {  	_ =	shalt  }
0x73: {  	_ =	shalt  }
0x74: {  	_ =	shalt  }
0x75: {  	_ =	shalt  }
0x76: {  	_ =	shalt  }
0x77: {  	_ =	shalt  }
0x78: {  	_ =	shalt  }
0x79: {  	_ =	shalt  }
0x7a: {  	_ =	shalt  }
0x7b: {  	_ =	shalt  }
0x7c: {  	_ =	shalt  }
0x7d: {  	_ =	shalt  }
0x7e: {  	_ =	shalt  }
0x7f: {  	_ =	shalt  }
0x80: {  	_ =	shalt  }
0x81: {  	_ =	shalt  }
0x82: {  	_ =	shalt  }
0x83: {  	_ =	shalt  }
0x84: {  	_ =	shalt  }
0x85: {  	_ =	shalt  }
0x86: {  	_ =	shalt  }
0x87: {  	_ =	shalt  }
.Lfunc_end0:
.L_simem_size_0:
called_computation_lowered:
.L_overlay_start_0:
0x88: {  	s2 =	sld [smem:$0x3FD9]  }
0x89: {  	s3 =	sld [smem:$0x3FFE];
	_ =	sdelay $0x1  }
0x8a: {  	s1 =	srdreg.scid  }
0x8b: {  	s0 =	sand.u32 $0x1, s1  }
0x8c: {  	s17 =	sshll.u32 s0, $0xA;
	s2 =	sadd.s32 s3, s2  }
0x8d: {  	s2 =	sadd.s32 s2, s17  }
0x8e: {  	[smem:$0x3FBB] =	sst s2  }
0x8f: {  	_ = 	snop  }
0x90: {  	s2 =	sld [smem:$0x3FC9]  }
0x91: {  	s18 =	sld [smem:$0x3FD0];
	(tm) =	ssettm $0x1  }
0x92: {  	s4 =	sld [smem:$0x3FFB];
	_ =	sdelay $0x3  }
0x93: {  	_ =	strace s4  }
0x94: {  	s4 =	sld [smem:$0x3FFC];
	_ =	sdelay $0x3  }
0x95: {  	_ =	strace s4  }
0x96: {  	s4 =	sld [smem:$0x3FFD];
	_ =	sdelay $0x3  }
0x97: {  	_ =	strace s4  }
0x98: {  	_ =	strace $0x8FFFFFFF  }
0x99: {  	s19 =	sld [smem:$0x3FDB];
	_ =	sdelay $0x1  }
0x9a: {  	s5 =	simm.s32 $_scs_section_size  }
0x9b: {  	s6 =	simm.s32 $_size__tile_overlayer_lowered;
	s7 =	simm.s32 $_tile_overlayer_lowered  }
0x9c: {  	s22 =	simm.s32 $0x1BFF;
	s21 =	sshll.u32 s7, $0x1;
	s4 =	sadd.s32 s5, s19  }
0x9d: {  	s8 =	simm.s32 $0x0;
	s20 =	sshll.u32 s6, $0x1;
	s6 =	sadd.s32 s21, s4  }
0x9e: {  	[timem:s8], [sflag:s22] =	dma.local [hbm:s6], s20  }
0x9f: {  	_ =	swait.ge [sflag:s22], s20  }
0xa0: {  	s5 =	ssub.s32 $0x0, s20;
	[sflag:s22] =	ssyncset.done $0x0  }
0xa1: {  	[sflag:s22] =	ssyncadd.s32 s5;
	_ =	sdelay $0x1  }
0xa2: {  	s23 =	simm.s32 $0x1B8B  }
0xa3: {  	_ =	swait.ge [sflag:s23], $0x1  }
0xa4: {  	[sflag:s23] =	ssyncset.done $0x0  }
0xa5: {  	s25 =	simm.s32 $0x1B8E;
	s24 =	sld [smem:$0x3FFE];
	[sflag:s23] =	ssyncadd.s32 $0xFFFFFFFF  }
0xa6: {  	s26 =	simm.s32 $execute0_lowered;
	[smem:$0x3FD2] =	sst s25  }
0xa7: {  	s6 =	sshll.u32 s26, $0x1;
	_ =	strace $0x80000046;
	[dreg:$0x1] =	wrdreg $0xFFFFFFFF  }
0xa8: {  	s28 =	simm.s32 $_size_execute0_lowered;
	s4 =	sadd.s32 s4, s6;
	[dreg:$0x0] =	wrdreg $0x0  }
0xa9: {  	s6 =	sshll.u32 s28, $0x1;
	[dreg:$0x2] =	wrdreg s4  }
0xaa: {  	[dreg:$0x3] =	wrdreg s6  }
0xab: {  	[dreg:$0x4] =	wrdreg $0xC0  }
0xac: {  	_ =	task [dreg:s8], $0x5FFFF  }
0xad: {  	[dreg:$0x1] =	wrdreg $0xFFFFFFFF  }
0xae: {  	[dreg:$0x0] =	wrdreg $0x60  }
0xaf: {  	[dreg:$0x2] =	wrdreg s2  }
0xb0: {  	[dreg:$0x3] =	wrdreg s18  }
0xb1: {  	[dreg:$0x4] =	wrdreg s24  }
0xb2: {  	[dreg:$0x5] =	wrdreg $0x13C400  }
0xb3: {  	[dreg:$0x6] =	wrdreg $0x9  }
0xb4: {  	_ =	task.clear_ibuf [dreg:s8], $0x7FFFF;
	_ =	strace $0x90000046  }
0xb5: {  	s29 =	simm.s32 $0x9;
	_ =	strace $0x80000048  }
0xb6: {  	_ =	swait.ge [sflag:s29], $0x1  }
0xb7: {  	[sflag:s29] =	ssyncadd.s32 $0xFFFFFFFF  }
0xb8: {  	_ =	strace $0x90000048  }
0xb9: {  	_ =	sfence  }
0xba: {  	s30 =	sld [smem:$0x0];
	_ =	sdelay $0x2  }
0xbb: {  	s31 =	sshll.u32 s1, $0xD;
	s1 =	sshrl.u32 s1, $0x2  }
0xbc: {  	s3 =	sand.u32 $0x4000, s31;
	s1 =	sadd.s32 s1, s30  }
0xbd: {  	s0 =	sor.u32 s3, s0;
	s1 =	sshll.u32 s1, $0x11  }
0xbe: {  	s0 =	sor.u32 s1, s0  }
0xbf: {  	s0 =	sadd.s32 $0x8F2B, s0  }
0xc0: {  	[sflag:s0] =	ssyncadd.remote.s32 $0x1  }
0xc1: {  	_ =	sfence.sel $0xFFFF  }
0xc2: {  	[dreg:$0x0] =	wrdreg $0xFFFFFFFF;
	(pc) =	sbr.abs _section_cstart, $3  }
0xc3: {  	[dreg:$0x1] =	wrdreg $0xFFFFFFFF  }
0xc4: {  	_ =	task.clear_ibuf [dreg:s8], $0x2FFFF;
	_ =	strace $0x9FFFFFFF  }
0xc5: {  	(tm) =	ssettm $0x7FFFFFFF  }
tec
execute0_lowered:
.L_overlay_start_1:
0x0: {  	(tag) =	ssettag $0x1  }
0x1: {  	s2 =	rddreg [dreg:$0x0]  }
0x2: {  	s0 =	rddreg [dreg:$0x1]  }
0x3: {  	s1 =	rddreg [dreg:$0x2]  }
0x4: {  	s3 =	rddreg [dreg:$0x3];
	s12 =	stileid.u32  }
0x5: {  	s4 =	simm.s32 $0x0;
	s7 =	srdreg.scid;
	s14 =	simm.s32 $0x7D  }
0x6: {  	s15 =	simm.s32 $0xA000;
	s17 =	simm.s32 $0xBF40;
	s19 =	simm.s32 $0xDE80  }
0x7: {  	s21 =	simm.s32 $0xFDC0;
	s28 =	simm.s32 $0x4;
	s29 =	simm.s32 $0x5  }
0x8: {  	s13 =	simm.s32 $0x9F80;
	s16 =	simm.s32 $0x10;
	s5 =	smul.u32 $0xA00, s12  }
0x9: {  	s18 =	simm.s32 $0x8;
	s20 =	simm.s32 $0x0;
	s6 =	smul.u32 $0xA000, s12  }
0xa: {  	[smem:$0x7FF] =	sst s4;
	s7 =	sand.u32 $0x1, s7;
	s8 =	smul.u32 $0x14000, s12  }
0xb: {  	s30 =	sshll.u32 s12, $0x6;
	_ =	strace $0x80000047;
	s10 =	sshll.u32 s7, $0x6  }
0xc: {  	s24 =	ssub.s32 $0x2, s7;
	s7 =	sshll.u32 s7, $0x4;
	s9 =	sshrl.u32 s6, $0x3  }
0xd: {  	s11 =	sadd.s32 s5, s1;
	s8 =	sor.u32 s10, s8;
	s25 =	sshrl.u32 s24, $0x1  }
0xe: {  	s7 =	sor.u32 s12, s7;
	s31 =	sadd.s32 s6, s3;
	s6 =	sor.u32 $0x1C06, s30  }
0xf: {  	s12 =	simm.s32 $0x6;
	s23 =	sadd.s32 s9, s1;
	s8 =	sshrl.u32 s8, $0x3  }
0x10: {  	s26 =	ssub.s32 s24, s25;
	s7 =	smul.u32 $0xA00, s7;
	s24 =	simm.s32 $0x1  }
0x11: {  	s25 =	simm.s32 $0x2;
	s1 =	sadd.s32 s8, s1;
	s5 =	sadd.s32 $0xBC00, s23  }
0x12: {  	s8 =	sadd.s32 $0x1C00, s11;
	s10 =	smax.u32 s26, $0x1;
	s11 =	sshrl.u32 s31, $0x3  }
0x13: {  	s23 =	simm.s32 $0x11D00;
	s26 =	simm.s32 $0x3;
	s7 =	sadd.s32 s0, s7  }
0x14: {  	s9 =	sadd.s32 $0x1FC00, s1;
	s0 =	simm.s32 $0x9E80;
	s1 =	simm.s32 $0x9F00  }
.LBB2_1:
0x15: {  	[spmem:s11], [sflag:s6] =	dma.local [hbm:s5], $0x1400  }
0x16: {  	_ =	swait.ge [sflag:s12], $0x1400  }
0x17: {  	[sflag:s12] =	ssyncset.done $0x0  }
0x18: {  	[sflag:s12] =	ssyncadd.s32 $0xFFFFEC00  }
0x19: {  	[tilespmem:s4], [sflag:$0x6] =	stream.linear.gather [hbm4b:s7+s4], $0x5000, $0x38;
	[tilespmem:$0x1DC40] =	vst v63  }
0x1a: {  	_ =	swait.ge [sflag:s12], $0x5000  }
0x1b: {  	[sflag:s12] =	ssyncset.done $0x0  }
0x1c: {  	s22 =	simm.s32 $0x5000;
	[sflag:s12] =	ssyncadd.s32 $0xFFFFB000  }
0x1d: {  	[tilespmem:s22], [sflag:$0x6] =	stream.linear.gather [hbm4b:s8+s4], $0x5000, $0x38;
	[tilespmem:$0x1DC40] =	vst v63  }
0x1e: {  	_ =	swait.ge [sflag:s12], $0x5000  }
0x1f: {  	[sflag:s12] =	ssyncset.done $0x0  }
0x20: {  	[sflag:s12] =	ssyncadd.s32 $0xFFFFB000  }
0x21: {  	[bflag:$0x0] =	sbarrier.arrive $0xFFFF  }
0x22: {  	[tilespmem:s15], [sflag:$0x1] =	stream.indirect.gather [hbm4b:s2+s14], $0x40, s4, s14, $0xb8;
	[tilespmem:$0x1DC40] =	vst v63  }
0x23: {  	s31 =	simm.s32 $0x80  }
0x24: {  	[tilespmem:s17], [sflag:$0x2] =	stream.indirect.gather [hbm4b:s2+s14], $0x40, s31, s14, $0xb8;
	[tilespmem:$0x1DC40] =	vst v63  }
0x25: {  	s31 =	simm.s32 $0x100  }
0x26: {  	[tilespmem:s19], [sflag:$0x3] =	stream.indirect.gather [hbm4b:s2+s14], $0x40, s31, s14, $0xb8;
	[tilespmem:$0x1DC40] =	vst v63  }
0x27: {  	s31 =	simm.s32 $0x180  }
0x28: {  	[tilespmem:s21], [sflag:$0x4] =	stream.indirect.gather [hbm4b:s2+s14], $0x40, s31, s14, $0xb8;
	[tilespmem:$0x1DC40] =	vst v63  }
0x29: {  	s31 =	simm.s32 $0x200  }
0x2a: {  	[tilespmem:s23], [sflag:$0x5] =	stream.indirect.gather [hbm4b:s2+s14], $0x40, s31, s14, $0xb8;
	[tilespmem:$0x1DC40] =	vst v63  }
0x2b: {  	_ =	swait.ge [sflag:s24], $0x1F40  }
0x2c: {  	[sflag:s24] =	ssyncset.done $0x0  }
0x2d: {  	s31 =	simm.s32 $0x5000;
	[sflag:s24] =	ssyncadd.s32 $0xFFFFE0C0  }
0x2e: {  	[spmem:s3] =	stream.indirect.scatter.add.f32 [tilespmem:s15], [sflag:$0x6], $0x40, s31, s14, $0xb8;
	[tilespmem:$0x1DC40] =	vst v63  }
0x2f: {  	_ =	swait.ge [sflag:s12], $0x1F40  }
0x30: {  	[sflag:s12] =	ssyncset.done $0x0  }
0x31: {  	s31 =	simm.s32 $0x280;
	[sflag:s12] =	ssyncadd.s32 $0xFFFFE0C0  }
0x32: {  	[tilespmem:s15], [sflag:$0x1] =	stream.indirect.gather [hbm4b:s2+s14], $0x40, s31, s14, $0xb8;
	[tilespmem:$0x1DC40] =	vst v63  }
0x33: {  	_ =	swait.ge [sflag:s25], $0x1F40  }
0x34: {  	[sflag:s25] =	ssyncset.done $0x0  }
0x35: {  	s31 =	simm.s32 $0x5080;
	[sflag:s25] =	ssyncadd.s32 $0xFFFFE0C0  }
0x36: {  	[spmem:s3] =	stream.indirect.scatter.add.f32 [tilespmem:s17], [sflag:$0x6], $0x40, s31, s14, $0xb8;
	[tilespmem:$0x1DC40] =	vst v63  }
0x37: {  	_ =	swait.ge [sflag:s12], $0x1F40  }
0x38: {  	[sflag:s12] =	ssyncset.done $0x0  }
0x39: {  	s31 =	simm.s32 $0x300;
	[sflag:s12] =	ssyncadd.s32 $0xFFFFE0C0  }
0x3a: {  	[tilespmem:s17], [sflag:$0x2] =	stream.indirect.gather [hbm4b:s2+s14], $0x40, s31, s14, $0xb8;
	[tilespmem:$0x1DC40] =	vst v63  }
0x3b: {  	_ =	swait.ge [sflag:s26], $0x1F40  }
0x3c: {  	[sflag:s26] =	ssyncset.done $0x0  }
0x3d: {  	s31 =	simm.s32 $0x5100;
	[sflag:s26] =	ssyncadd.s32 $0xFFFFE0C0  }
0x3e: {  	[spmem:s3] =	stream.indirect.scatter.add.f32 [tilespmem:s19], [sflag:$0x6], $0x40, s31, s14, $0xb8;
	[tilespmem:$0x1DC40] =	vst v63  }
0x3f: {  	_ =	swait.ge [sflag:s12], $0x1F40  }
0x40: {  	[sflag:s12] =	ssyncset.done $0x0  }
0x41: {  	s31 =	simm.s32 $0x380;
	[sflag:s12] =	ssyncadd.s32 $0xFFFFE0C0  }
0x42: {  	[tilespmem:s19], [sflag:$0x3] =	stream.indirect.gather [hbm4b:s2+s14], $0x40, s31, s14, $0xb8;
	[tilespmem:$0x1DC40] =	vst v63  }
0x43: {  	_ =	swait.ge [sflag:s28], $0x1F40  }
0x44: {  	[sflag:s28] =	ssyncset.done $0x0  }
0x45: {  	s31 =	simm.s32 $0x5180;
	[sflag:s28] =	ssyncadd.s32 $0xFFFFE0C0  }
0x46: {  	[spmem:s3] =	stream.indirect.scatter.add.f32 [tilespmem:s21], [sflag:$0x6], $0x40, s31, s14, $0xb8;
	[tilespmem:$0x1DC40] =	vst v63  }
0x47: {  	_ =	swait.ge [sflag:s12], $0x1F40  }
0x48: {  	[sflag:s12] =	ssyncset.done $0x0  }
0x49: {  	s31 =	simm.s32 $0x400;
	[sflag:s12] =	ssyncadd.s32 $0xFFFFE0C0  }
0x4a: {  	[tilespmem:s21], [sflag:$0x4] =	stream.indirect.gather [hbm4b:s2+s14], $0x40, s31, s14, $0xb8;
	[tilespmem:$0x1DC40] =	vst v63  }
0x4b: {  	_ =	swait.ge [sflag:s29], $0x1F40  }
0x4c: {  	[sflag:s29] =	ssyncset.done $0x0  }
0x4d: {  	s31 =	simm.s32 $0x5200;
	[sflag:s29] =	ssyncadd.s32 $0xFFFFE0C0  }
0x4e: {  	[spmem:s3] =	stream.indirect.scatter.add.f32 [tilespmem:s23], [sflag:$0x6], $0x40, s31, s14, $0xb8;
	[tilespmem:$0x1DC40] =	vst v63  }
0x4f: {  	_ =	swait.ge [sflag:s12], $0x1F40  }
0x50: {  	[sflag:s12] =	ssyncset.done $0x0  }
0x51: {  	s30 =	simm.s32 $0x480;
	s22 =	simm.s32 $0xA00;
	[sflag:s12] =	ssyncadd.s32 $0xFFFFE0C0  }
.LBB2_2:
0x52: {  	[tilespmem:s23], [sflag:$0x5] =	stream.indirect.gather [hbm4b:s2+s14], $0x40, s30, s14, $0xb8;
	[tilespmem:$0x1DC40] =	vst v63  }
0x53: {  	s30 =	smov.u32 s22  }
0x54: {  	p0 =	sne.s32 s22, $0x12C00;
	s22 =	sadd.s32 $0xA00, s22;
	_ =	swait.ge [sflag:s24], $0x1F40  }
0x55: {  	s30 =	sshra.s32 s30, $0x2;
	[sflag:s24] =	ssyncset.done $0x0  }
0x56: {  	s31 =	sadd.s32 $0x5000, s30;
	[sflag:s24] =	ssyncadd.s32 $0xFFFFE0C0  }
0x57: {  	[spmem:s3] =	stream.indirect.scatter.add.f32 [tilespmem:s15], [sflag:$0x6], $0x40, s31, s14, $0xb8;
	[tilespmem:$0x1DC40] =	vst v63  }
0x58: {  	_ =	swait.ge [sflag:s12], $0x1F40  }
0x59: {  	[sflag:s12] =	ssyncset.done $0x0  }
0x5a: {  	s31 =	sadd.s32 $0x280, s30;
	[sflag:s12] =	ssyncadd.s32 $0xFFFFE0C0  }
0x5b: {  	[tilespmem:s15], [sflag:$0x1] =	stream.indirect.gather [hbm4b:s2+s14], $0x40, s31, s14, $0xb8;
	[tilespmem:$0x1DC40] =	vst v63  }
0x5c: {  	_ =	swait.ge [sflag:s25], $0x1F40  }
0x5d: {  	[sflag:s25] =	ssyncset.done $0x0  }
0x5e: {  	s31 =	sadd.s32 $0x5080, s30;
	[sflag:s25] =	ssyncadd.s32 $0xFFFFE0C0  }
0x5f: {  	[spmem:s3] =	stream.indirect.scatter.add.f32 [tilespmem:s17], [sflag:$0x6], $0x40, s31, s14, $0xb8;
	[tilespmem:$0x1DC40] =	vst v63  }
0x60: {  	_ =	swait.ge [sflag:s12], $0x1F40  }
0x61: {  	[sflag:s12] =	ssyncset.done $0x0  }
0x62: {  	s31 =	sadd.s32 $0x300, s30;
	[sflag:s12] =	ssyncadd.s32 $0xFFFFE0C0  }
0x63: {  	[tilespmem:s17], [sflag:$0x2] =	stream.indirect.gather [hbm4b:s2+s14], $0x40, s31, s14, $0xb8;
	[tilespmem:$0x1DC40] =	vst v63  }
0x64: {  	_ =	swait.ge [sflag:s26], $0x1F40  }
0x65: {  	[sflag:s26] =	ssyncset.done $0x0  }
0x66: {  	s31 =	sadd.s32 $0x5100, s30;
	[sflag:s26] =	ssyncadd.s32 $0xFFFFE0C0  }
0x67: {  	[spmem:s3] =	stream.indirect.scatter.add.f32 [tilespmem:s19], [sflag:$0x6], $0x40, s31, s14, $0xb8;
	[tilespmem:$0x1DC40] =	vst v63  }
0x68: {  	_ =	swait.ge [sflag:s12], $0x1F40  }
0x69: {  	[sflag:s12] =	ssyncset.done $0x0  }
0x6a: {  	s31 =	sadd.s32 $0x380, s30;
	[sflag:s12] =	ssyncadd.s32 $0xFFFFE0C0  }
0x6b: {  	[tilespmem:s19], [sflag:$0x3] =	stream.indirect.gather [hbm4b:s2+s14], $0x40, s31, s14, $0xb8;
	[tilespmem:$0x1DC40] =	vst v63  }
0x6c: {  	_ =	swait.ge [sflag:s28], $0x1F40  }
0x6d: {  	[sflag:s28] =	ssyncset.done $0x0  }
0x6e: {  	s31 =	sadd.s32 $0x5180, s30;
	[sflag:s28] =	ssyncadd.s32 $0xFFFFE0C0  }
0x6f: {  	[spmem:s3] =	stream.indirect.scatter.add.f32 [tilespmem:s21], [sflag:$0x6], $0x40, s31, s14, $0xb8;
	[tilespmem:$0x1DC40] =	vst v63  }
0x70: {  	_ =	swait.ge [sflag:s12], $0x1F40  }
0x71: {  	[sflag:s12] =	ssyncset.done $0x0  }
0x72: {  	s31 =	sadd.s32 $0x400, s30;
	[sflag:s12] =	ssyncadd.s32 $0xFFFFE0C0  }
0x73: {  	[tilespmem:s21], [sflag:$0x4] =	stream.indirect.gather [hbm4b:s2+s14], $0x40, s31, s14, $0xb8;
	[tilespmem:$0x1DC40] =	vst v63  }
0x74: {  	_ =	swait.ge [sflag:s29], $0x1F40  }
0x75: {  	[sflag:s29] =	ssyncset.done $0x0  }
.Ltmp0:
0x76: {  	s31 =	sadd.s32 $0x5200, s30;
	[sflag:s29] =	ssyncadd.s32 $0xFFFFE0C0;
	(pc) =	sbr.rel @p0 .LBB2_2-.Ltmp0, $4  }
0x77: {  	[spmem:s3] =	stream.indirect.scatter.add.f32 [tilespmem:s23], [sflag:$0x6], $0x40, s31, s14, $0xb8;
	[tilespmem:$0x1DC40] =	vst v63  }
0x78: {  	_ =	swait.ge [sflag:s12], $0x1F40  }
0x79: {  	[sflag:s12] =	ssyncset.done $0x0  }
0x7a: {  	s30 =	sadd.s32 $0x480, s30;
	[sflag:s12] =	ssyncadd.s32 $0xFFFFE0C0  }
0x7b: {  	[tilespmem:s23], [sflag:$0x5] =	stream.indirect.gather [hbm4b:s2+s14], $0x40, s30, s14, $0xb8;
	[tilespmem:$0x1DC40] =	vst v63  }
0x7c: {  	_ =	swait.ge [sflag:s24], $0x1F40  }
0x7d: {  	[sflag:s24] =	ssyncset.done $0x0  }
0x7e: {  	s22 =	simm.s32 $0x9D80;
	[sflag:s24] =	ssyncadd.s32 $0xFFFFE0C0  }
0x7f: {  	[spmem:s3] =	stream.indirect.scatter.add.f32 [tilespmem:s15], [sflag:$0x6], $0x40, s22, s14, $0xb8;
	[tilespmem:$0x1DC40] =	vst v63  }
0x80: {  	_ =	swait.ge [sflag:s12], $0x1F40  }
0x81: {  	[sflag:s12] =	ssyncset.done $0x0  }
0x82: {  	[sflag:s12] =	ssyncadd.s32 $0xFFFFE0C0  }
0x83: {  	_ =	swait.ge [sflag:s25], $0x1F40  }
0x84: {  	[sflag:s25] =	ssyncset.done $0x0  }
0x85: {  	s31 =	simm.s32 $0x9E00;
	[sflag:s25] =	ssyncadd.s32 $0xFFFFE0C0  }
0x86: {  	[spmem:s3] =	stream.indirect.scatter.add.f32 [tilespmem:s17], [sflag:$0x6], $0x40, s31, s14, $0xb8;
	[tilespmem:$0x1DC40] =	vst v63  }
0x87: {  	_ =	swait.ge [sflag:s12], $0x1F40  }
0x88: {  	[sflag:s12] =	ssyncset.done $0x0  }
0x89: {  	[sflag:s12] =	ssyncadd.s32 $0xFFFFE0C0  }
0x8a: {  	_ =	swait.ge [sflag:s26], $0x1F40  }
0x8b: {  	[sflag:s26] =	ssyncset.done $0x0  }
0x8c: {  	[sflag:s26] =	ssyncadd.s32 $0xFFFFE0C0  }
0x8d: {  	[spmem:s3] =	stream.indirect.scatter.add.f32 [tilespmem:s19], [sflag:$0x6], $0x40, s0, s14, $0xb8;
	[tilespmem:$0x1DC40] =	vst v63  }
0x8e: {  	_ =	swait.ge [sflag:s12], $0x1F40  }
0x8f: {  	[sflag:s12] =	ssyncset.done $0x0  }
0x90: {  	[sflag:s12] =	ssyncadd.s32 $0xFFFFE0C0  }
0x91: {  	_ =	swait.ge [sflag:s28], $0x1F40  }
0x92: {  	[sflag:s28] =	ssyncset.done $0x0  }
0x93: {  	[sflag:s28] =	ssyncadd.s32 $0xFFFFE0C0  }
0x94: {  	[spmem:s3] =	stream.indirect.scatter.add.f32 [tilespmem:s21], [sflag:$0x6], $0x40, s1, s14, $0xb8;
	[tilespmem:$0x1DC40] =	vst v63  }
0x95: {  	_ =	swait.ge [sflag:s12], $0x1F40  }
0x96: {  	[sflag:s12] =	ssyncset.done $0x0  }
0x97: {  	[sflag:s12] =	ssyncadd.s32 $0xFFFFE0C0  }
0x98: {  	_ =	swait.ge [sflag:s29], $0x1F40  }
0x99: {  	[sflag:s29] =	ssyncset.done $0x0  }
0x9a: {  	[sflag:s29] =	ssyncadd.s32 $0xFFFFE0C0  }
0x9b: {  	[spmem:s3] =	stream.indirect.scatter.add.f32 [tilespmem:s23], [sflag:$0x6], $0x40, s13, s14, $0xb8;
	[tilespmem:$0x1DC40] =	vst v63  }
0x9c: {  	_ =	swait.ge [sflag:s12], $0x1F40  }
0x9d: {  	s20 =	sadd.s32 $0x1, s20;
	[sflag:s12] =	ssyncset.done $0x0  }
0x9e: {  	p0 =	sne.s32 s20, s10;
	[sflag:s12] =	ssyncadd.s32 $0xFFFFE0C0  }
.Ltmp1:
0x9f: {  	[bflag:$0x0] =	sbarrier.arrive $0xFFFF;
	(pc) =	sbr.rel @p0 .LBB2_1-.Ltmp1, $4  }
0xa0: {  	[hbm:s9@s16], [sflag:s6] =	dma.strided [spmem:s11@s18], $0x1400, s24, $0x8   }
0xa1: {  	_ =	swait.ge [sflag:s12], $0x1400  }
0xa2: {  	[sflag:s12] =	ssyncset.done $0x0  }
0xa3: {  	[sflag:s12] =	ssyncadd.s32 $0xFFFFEC00  }
0xa4: {  	_ =	sfence.sel $0x180000  }
0xa5: {  	[bflag:$0x0] =	sbarrier.arrive $0xFFFF  }
0xa6: {  	_ =	strace $0x90000047  }
0xa7: {  	s0 =	stileid.u32;
	[bflag:$0x2] =	sbarrier.arrive $0xFFFF  }
0xa8: {  	p0 =	sne.s32 s0, $0x0;
	s0 =	rddreg [dreg:$0x4]  }
0xa9: {  	s0 =	sadd.s32 @!p0 $0x100000, s0  }
0xaa: {  	[sflag:s0] =	ssyncadd.tile.s32 @!p0 $0x1;
	_ =	shalt  }
.Lfunc_end2:
_tile_overlayer_lowered:
.L_overlay_start_2:
0xab: {  	(tag) =	ssettag $0x2  }
0xac: {  	s0 =	rddreg [dreg:$0x0];
	s2 =	stileid.u32  }
0xad: {  	s1 =	rddreg [dreg:$0x1];
	p0 =	sne.s32 s2, $0x0  }
0xae: {  	s3 =	rddreg [dreg:$0x2];
	[bflag:$0x3] =	sbarrier.arrive $0xFFFF;
	s2 =	simm.s32 @!p0 $0x1C06  }
0xaf: {  	[timem:s3], [sflag:s2] =	dma.local @!p0 [hbm:s0], s1  }
0xb0: {  	s0 =	simm.s32 @!p0 $0x6  }
0xb1: {  	_ =	swait.ge @!p0 [sflag:s0], s1  }
0xb2: {  	s1 =	ssub.s32 @!p0 $0x0, s1;
	[sflag:s0] =	ssyncset.done @!p0 $0x0  }
0xb3: {  	[sflag:s0] =	ssyncadd.s32 @!p0 s1  }
0xb4: {  	[bflag:$0x3] =	sbarrier.arrive $0xFFFF  }
0xb5: {  	_ =	shalt  }

</sc_bundles>
